<compile_context>
chip_gen: v7x
topology: tpu7x:2x2x1
jax: 0.10.2.dev20260603
libtpu: 0.0.44.dev20260713+nightly
codegen_flags: <defaults>
</compile_context>

<pallas_src>
import functools

import jax
import jax.numpy as jnp
from jax import lax
from jax.experimental import pallas as pl
from jax.experimental.pallas import tpu as pltpu
from jax.experimental.pallas import tpu_sc as plsc

VOCAB = 1000000
EMBED = 64
SEQ = 200
BATCH = 1024
NW = 32
BPW = BATCH // NW
LANES = 16
NBUF = 4
QUADS = BPW // NBUF

RB = 128
SRCW = RB + 9
NBLK = VOCAB // RB
BLK_PER_W = NBLK // NW
TQUADS = BLK_PER_W // NBUF
EXTRA = NBLK - NW * BLK_PER_W
TAIL = VOCAB - NBLK * RB


def _tr_body(tt_hbm, tail_hbm, out_hbm, srcs, dsts, gsems, ssems):
    c = lax.axis_index("c")
    s = lax.axis_index("s")
    wid = s * 2 + c
    g0 = wid * BLK_PER_W

    lanes = jnp.arange(LANES, dtype=jnp.int32)

    def start_load(g, b):
        pltpu.async_copy(
            tt_hbm.at[:, pl.ds(g * RB, RB)], srcs[b].at[:, pl.ds(0, RB)], gsems[b]
        )

    def wait_load(b):
        pltpu.make_async_copy(
            tt_hbm.at[:, pl.ds(0, RB)], srcs[b].at[:, pl.ds(0, RB)], gsems[b]
        ).wait()

    def start_store(g, b):
        pltpu.async_copy(dsts[b], out_hbm.at[pl.ds(g * (RB // 2), RB // 2)], ssems[b])

    def wait_store(b):
        pltpu.make_async_copy(dsts[b], out_hbm.at[pl.ds(0, RB // 2)], ssems[b]).wait()

    def transpose_fast(b):
        src = srcs[b]
        dst = dsts[b]

        @functools.partial(plsc.parallel_loop, 0, RB // 2, unroll=4)
        def _(rp):
            for rr in range(2):
                r = 2 * rp + rr
                rid = jnp.full((LANES,), 0, dtype=jnp.int32) + r
                for k in range(EMBED // LANES):
                    v = plsc.load_gather(src, [k * LANES + lanes, rid])
                    dst[rp, pl.ds(rr * EMBED + k * LANES, LANES)] = v

    def transpose_slow(b, nrows):
        src = srcs[b]
        dst = dsts[b]

        def row_pair(rp, c2):
            for rr in range(2):
                r = 2 * rp + rr
                rid = jnp.full((LANES,), 0, dtype=jnp.int32) + r
                for k in range(EMBED // LANES):
                    v = plsc.load_gather(src, [k * LANES + lanes, rid])
                    dst[rp, pl.ds(rr * EMBED + k * LANES, LANES)] = v
            return c2

        lax.fori_loop(0, nrows // 2, row_pair, 0)

    start_load(g0, 0)
    start_load(g0 + 1, 1)

    def quad(q, carry):
        for i in range(NBUF):
            t = NBUF * q + i
            b2 = (i + 2) % NBUF
            if i < 2:
                @pl.when(q >= 1)
                def _():
                    wait_store(b2)
                    start_load(g0 + t + 2, b2)

                @pl.when(q < 1)
                def _():
                    start_load(g0 + t + 2, b2)
            else:
                wait_store(b2)

                @pl.when(q < TQUADS - 1)
                def _():
                    start_load(g0 + t + 2, b2)

            wait_load(i)
            plsc.subcore_barrier()
            transpose_fast(i)
            plsc.subcore_barrier()
            start_store(g0 + t, i)
        return carry

    lax.fori_loop(0, TQUADS, quad, 0)
    wait_store(2)
    wait_store(3)

    @pl.when(wid < EXTRA)
    def _():
        g = NW * BLK_PER_W + wid
        start_load(g, 0)
        wait_load(0)
        transpose_slow(0, RB)
        pltpu.sync_copy(dsts[0], out_hbm.at[pl.ds(g * (RB // 2), RB // 2)])

    @pl.when(wid == EXTRA)
    def _():
        pltpu.sync_copy(tail_hbm, dsts[1].at[pl.ds(0, TAIL // 2)])
        pltpu.sync_copy(
            dsts[1].at[pl.ds(0, TAIL // 2)],
            out_hbm.at[pl.ds(NBLK * (RB // 2), TAIL // 2)],
        )


@jax.jit
def _transpose_table(tt, tail):
    mesh = plsc.VectorSubcoreMesh(core_axis_name="c", subcore_axis_name="s")
    f = functools.partial(
        pl.kernel,
        mesh=mesh,
        out_type=jax.ShapeDtypeStruct((VOCAB // 2, 2 * EMBED), jnp.float32),
        scratch_types=[
            [pltpu.VMEM((EMBED, SRCW), jnp.float32) for _ in range(NBUF)],
            [pltpu.VMEM((RB // 2, 2 * EMBED), jnp.float32) for _ in range(NBUF)],
            [pltpu.SemaphoreType.DMA for _ in range(NBUF)],
            [pltpu.SemaphoreType.DMA for _ in range(NBUF)],
        ],
        compiler_params=pltpu.CompilerParams(
            use_tc_tiling_on_sc=True, needs_layout_passes=False
        ),
    )(_tr_body)
    return f(tt, tail)


def _emb_body(ids_hbm, table_hbm, pos_hbm, out_hbm, idx_v, pos_v, bufs, gsems, ssems):
    c = lax.axis_index("c")
    s = lax.axis_index("s")
    wid = s * 2 + c
    b0 = wid * BPW

    pltpu.sync_copy(ids_hbm.at[pl.ds(b0, BPW)], idx_v)
    pltpu.sync_copy(pos_hbm.at[pl.ds(0, SEQ)], pos_v)

    def start_gather(bl, b):
        for off, n in ((0, 104), (104, 96)):
            pltpu.async_copy(
                table_hbm.at[idx_v.at[bl, pl.ds(off, n)]],
                bufs[b].at[pl.ds(off, n)],
                gsems[b],
            )

    def wait_gather(b):
        pltpu.make_async_copy(
            table_hbm.at[idx_v.at[0, pl.ds(0, 104)]], bufs[b], gsems[b]
        ).wait()

    def start_store(bl, b):
        pltpu.async_copy(bufs[b], out_hbm.at[b0 + bl], ssems[b])

    def wait_store(b):
        pltpu.make_async_copy(bufs[b], out_hbm.at[0], ssems[b]).wait()

    def add_pos(b):
        buf = bufs[b]

        def add_row(j, c2):
            for jj in range(2):
                for k in range(EMBED // LANES):
                    sl = pl.ds(k * LANES, LANES)
                    plsc.addupdate(buf.at[2 * j + jj, sl], pos_v[2 * j + jj, sl])
            return c2

        lax.fori_loop(0, SEQ // 2, add_row, 0)

    start_gather(0, 0)
    start_gather(1, 1)

    def quad(q, carry):
        for i in range(NBUF):
            bl = NBUF * q + i
            b2 = (i + 2) % NBUF
            if i < 2:
                @pl.when(q >= 1)
                def _():
                    wait_store(b2)
                    start_gather(bl + 2, b2)

                @pl.when(q < 1)
                def _():
                    start_gather(bl + 2, b2)
            else:
                wait_store(b2)

                @pl.when(q < QUADS - 1)
                def _():
                    start_gather(bl + 2, b2)

            wait_gather(i)
            add_pos(i)
            start_store(bl, i)
        return carry

    lax.fori_loop(0, QUADS, quad, 0)
    wait_store(2)
    wait_store(3)


@jax.jit
def _emb(ids, table, pos):
    mesh = plsc.VectorSubcoreMesh(core_axis_name="c", subcore_axis_name="s")
    f = functools.partial(
        pl.kernel,
        mesh=mesh,
        out_type=jax.ShapeDtypeStruct((BATCH, SEQ, EMBED), jnp.float32),
        scratch_types=[
            pltpu.VMEM((BPW, SEQ), jnp.int32),
            pltpu.VMEM((SEQ, EMBED), jnp.float32),
            [pltpu.VMEM((SEQ, EMBED), jnp.float32) for _ in range(NBUF)],
            [pltpu.SemaphoreType.DMA for _ in range(NBUF)],
            [pltpu.SemaphoreType.DMA for _ in range(NBUF)],
        ],
        compiler_params=pltpu.CompilerParams(use_tc_tiling_on_sc=False),
    )(_emb_body)
    return f(ids, table, pos)


def kernel(token_ids, token_table, pos_table):
    tail = token_table[NBLK * RB:].reshape(TAIL // 2, 2 * EMBED)
    lin = _transpose_table(token_table.T, tail)
    table_lin = lin.reshape(VOCAB, EMBED)
    return _emb(token_ids, table_lin, pos_table)

# --- scband reference (transcript-rebuilt; emitter-appended) ---
"""Pipeline reference for scband-text-embedding-18451179504116 (READ-ONLY COPY).

The authoritative reference and input builder live on the scoring server;
editing this copy changes nothing except your own understanding.
"""

import jax, jax.numpy as jnp
import numpy as np

VOCAB = 1000000
EMBED = 64
MAXLEN = 512
BATCH = 1024
SEQ = 200

def setup_inputs(seed: int = 0) -> dict:
    key = jax.random.key(seed)
    k1, k2, k3 = jax.random.split(key, 3)
    token_ids = jax.random.randint(k1, (BATCH, SEQ), 0, VOCAB, dtype=jnp.int64 if jax.config.jax_enable_x64 else jnp.int32)
    token_table = jax.random.normal(k2, (VOCAB, EMBED), dtype=jnp.float32) * 0.02
    pos_table = jax.random.normal(k3, (MAXLEN, EMBED), dtype=jnp.float32) * 0.02
    return {"token_ids": token_ids, "token_table": token_table, "pos_table": pos_table}

def reference(token_ids, token_table, pos_table):
    # token embedding lookup: [B, S] -> [B, S, D]
    tok_emb = jnp.take(token_table, token_ids, axis=0)
    # positional embedding for positions [0..S-1]
    seq_len = token_ids.shape[1]
    positions = jnp.arange(seq_len)
    pos_emb = jnp.take(pos_table, positions, axis=0)  # [S, D]
    return tok_emb + pos_emb[None, :, :]

if __name__ == "__main__":
    import jax
    _d = setup_inputs()
    print(jax.jit(kernel)(*tuple(_d.values())))

</pallas_src>

<mosaic_0001>
#map = affine_map<(d0, d1) -> (0, 0)>
module attributes {stable_mosaic.version = 14 : i64} {
  func.func @_tr_body(%arg0: i32, %arg1: i32, %arg2: memref<64x1000000xf32, #tpu.memory_space<hbm>>, %arg3: memref<32x128xf32, #tpu.memory_space<hbm>>, %arg4: memref<500000x128xf32, #tpu.memory_space<hbm>>, %arg5: memref<64x137xf32, #tpu.memory_space<vmem>>, %arg6: memref<64x137xf32, #tpu.memory_space<vmem>>, %arg7: memref<64x137xf32, #tpu.memory_space<vmem>>, %arg8: memref<64x137xf32, #tpu.memory_space<vmem>>, %arg9: memref<64x128xf32, #tpu.memory_space<vmem>>, %arg10: memref<64x128xf32, #tpu.memory_space<vmem>>, %arg11: memref<64x128xf32, #tpu.memory_space<vmem>>, %arg12: memref<64x128xf32, #tpu.memory_space<vmem>>, %arg13: memref<!tpu.dma_semaphore, #tpu.memory_space<semaphore_mem>>, %arg14: memref<!tpu.dma_semaphore, #tpu.memory_space<semaphore_mem>>, %arg15: memref<!tpu.dma_semaphore, #tpu.memory_space<semaphore_mem>>, %arg16: memref<!tpu.dma_semaphore, #tpu.memory_space<semaphore_mem>>, %arg17: memref<!tpu.dma_semaphore, #tpu.memory_space<semaphore_mem>>, %arg18: memref<!tpu.dma_semaphore, #tpu.memory_space<semaphore_mem>>, %arg19: memref<!tpu.dma_semaphore, #tpu.memory_space<semaphore_mem>>, %arg20: memref<!tpu.dma_semaphore, #tpu.memory_space<semaphore_mem>>) attributes {dimension_semantics = [#tpu.dimension_semantics<core_parallel>, #tpu.dimension_semantics<subcore_parallel>], iteration_bounds = array<i64: 2, 16>, scalar_prefetch = 0 : i64, scratch_operands = 16 : i64, tpu.core_type = #tpu.core_type<sc_vector_subcore>, window_params = [{transform_indices = #map}, {transform_indices = #map}, {transform_indices = #map}]} {
    %mul3A = arith.constant 2 : i32
    %mul3A_0 = arith.muli %arg1, %mul3A : i32
    %add3A = arith.addi %mul3A_0, %arg0 : i32
    %mul3A_1 = arith.constant 244 : i32
    %mul3A_2 = arith.muli %add3A, %mul3A_1 : i32
    %iota3A = tpu.iota {dimensions = array<i32: 0>} : vector<16xi32>
    %mul3A_3 = arith.constant 128 : i32
    %mul3A_4 = arith.muli %mul3A_2, %mul3A_3 : i32
    %dma_start3A = arith.constant 0 : i32
    %dma_start3A_5 = arith.constant 0 : i32
    %dma_start3A_6 = tpu.memref_slice %arg5[%dma_start3A, %dma_start3A_5] : memref<64x137xf32, #tpu.memory_space<vmem>> -> memref<64x128xf32, #tpu.memory_space<vmem>>
    %dma_start3A_7 = arith.constant 0 : i32
    %dma_start3A_8 = tpu.memref_slice %arg2[%dma_start3A_7, %mul3A_4] : memref<64x1000000xf32, #tpu.memory_space<hbm>> -> memref<64x128xf32, #tpu.memory_space<hbm>>
    %dma_start3A_9 = arith.constant 0 : i32
    %dma_start3A_10 = arith.constant 0 : i32
    %dma_start3A_11 = tpu.memref_slice %arg5[%dma_start3A_9, %dma_start3A_10] : memref<64x137xf32, #tpu.memory_space<vmem>> -> memref<64x128xf32, #tpu.memory_space<vmem>>
    %dma_start3A_12 = arith.constant 0 : i32
    %dma_start3A_13 = tpu.memref_slice %arg2[%dma_start3A_12, %mul3A_4] : memref<64x1000000xf32, #tpu.memory_space<hbm>> -> memref<64x128xf32, #tpu.memory_space<hbm>>
    tpu.enqueue_dma source(%dma_start3A_13 : memref<64x128xf32, #tpu.memory_space<hbm>>) target(%dma_start3A_11 : memref<64x128xf32, #tpu.memory_space<vmem>>) target_semaphore(%arg13 : memref<!tpu.dma_semaphore, #tpu.memory_space<semaphore_mem>>)
    %add3A_14 = arith.constant 1 : i32
    %add3A_15 = arith.addi %mul3A_2, %add3A_14 : i32
    %mul3A_16 = arith.constant 128 : i32
    %mul3A_17 = arith.muli %add3A_15, %mul3A_16 : i32
    %dma_start3A_18 = arith.constant 0 : i32
    %dma_start3A_19 = arith.constant 0 : i32
    %dma_start3A_20 = tpu.memref_slice %arg6[%dma_start3A_18, %dma_start3A_19] : memref<64x137xf32, #tpu.memory_space<vmem>> -> memref<64x128xf32, #tpu.memory_space<vmem>>
    %dma_start3A_21 = arith.constant 0 : i32
    %dma_start3A_22 = tpu.memref_slice %arg2[%dma_start3A_21, %mul3A_17] : memref<64x1000000xf32, #tpu.memory_space<hbm>> -> memref<64x128xf32, #tpu.memory_space<hbm>>
    %dma_start3A_23 = arith.constant 0 : i32
    %dma_start3A_24 = arith.constant 0 : i32
    %dma_start3A_25 = tpu.memref_slice %arg6[%dma_start3A_23, %dma_start3A_24] : memref<64x137xf32, #tpu.memory_space<vmem>> -> memref<64x128xf32, #tpu.memory_space<vmem>>
    %dma_start3A_26 = arith.constant 0 : i32
    %dma_start3A_27 = tpu.memref_slice %arg2[%dma_start3A_26, %mul3A_17] : memref<64x1000000xf32, #tpu.memory_space<hbm>> -> memref<64x128xf32, #tpu.memory_space<hbm>>
    tpu.enqueue_dma source(%dma_start3A_27 : memref<64x128xf32, #tpu.memory_space<hbm>>) target(%dma_start3A_25 : memref<64x128xf32, #tpu.memory_space<vmem>>) target_semaphore(%arg14 : memref<!tpu.dma_semaphore, #tpu.memory_space<semaphore_mem>>)
    %scan3A = arith.constant 0 : i32
    %scan3A_28 = arith.constant 0 : i32
    %scan3A_29 = arith.constant 61 : i32
    %scan3A_30 = arith.addi %scan3A_28, %scan3A_29 : i32
    %scan3A_31 = arith.constant 1 : i32
    scf.for %scan3A_50 = %scan3A_28 to %scan3A_30 step %scan3A_31  : i32 {
      %mul3A_51 = arith.constant 4 : i32
      %mul3A_52 = arith.muli %mul3A_51, %scan3A_50 : i32
      %add3A_53 = arith.constant 0 : i32
      %add3A_54 = arith.addi %mul3A_52, %add3A_53 : i32
      %ge3A = arith.constant 1 : i32
      %ge3A_55 = arith.cmpi sge, %scan3A_50, %ge3A : i32
      %convert_element_type3A_56 = arith.extui %ge3A_55 : i1 to i32
      %cond3A_57 = arith.constant 0 : i32
      %cond3A_58 = arith.cmpi ne, %convert_element_type3A_56, %cond3A_57 : i32
      scf.if %cond3A_58 {
        %dma_wait3A_191 = arith.constant 0 : i32
        %dma_wait3A_192 = arith.constant 0 : i32
        %dma_wait3A_193 = tpu.memref_slice %arg4[%dma_wait3A_191, %dma_wait3A_192] : memref<500000x128xf32, #tpu.memory_space<hbm>> -> memref<64x128xf32, #tpu.memory_space<hbm>>
        %dma_wait3A_194 = arith.constant 0 : i32
        %dma_wait3A_195 = arith.constant 0 : i32
        %dma_wait3A_196 = tpu.memref_slice %arg4[%dma_wait3A_194, %dma_wait3A_195] : memref<500000x128xf32, #tpu.memory_space<hbm>> -> memref<64x128xf32, #tpu.memory_space<hbm>>
        tpu.wait_dma2 semaphore(%arg19 : memref<!tpu.dma_semaphore, #tpu.memory_space<semaphore_mem>>) src(%arg11 : memref<64x128xf32, #tpu.memory_space<vmem>>) dst(%dma_wait3A_196 : memref<64x128xf32, #tpu.memory_space<hbm>>)
        %add3A_197 = arith.addi %mul3A_2, %add3A_54 : i32
        %add3A_198 = arith.constant 2 : i32
        %add3A_199 = arith.addi %add3A_197, %add3A_198 : i32
        %mul3A_200 = arith.constant 128 : i32
        %mul3A_201 = arith.muli %add3A_199, %mul3A_200 : i32
        %dma_start3A_202 = arith.constant 0 : i32
        %dma_start3A_203 = arith.constant 0 : i32
        %dma_start3A_204 = tpu.memref_slice %arg7[%dma_start3A_202, %dma_start3A_203] : memref<64x137xf32, #tpu.memory_space<vmem>> -> memref<64x128xf32, #tpu.memory_space<vmem>>
        %dma_start3A_205 = arith.constant 0 : i32
        %dma_start3A_206 = tpu.memref_slice %arg2[%dma_start3A_205, %mul3A_201] : memref<64x1000000xf32, #tpu.memory_space<hbm>> -> memref<64x128xf32, #tpu.memory_space<hbm>>
        %dma_start3A_207 = arith.constant 0 : i32
        %dma_start3A_208 = arith.constant 0 : i32
        %dma_start3A_209 = tpu.memref_slice %arg7[%dma_start3A_207, %dma_start3A_208] : memref<64x137xf32, #tpu.memory_space<vmem>> -> memref<64x128xf32, #tpu.memory_space<vmem>>
        %dma_start3A_210 = arith.constant 0 : i32
        %dma_start3A_211 = tpu.memref_slice %arg2[%dma_start3A_210, %mul3A_201] : memref<64x1000000xf32, #tpu.memory_space<hbm>> -> memref<64x128xf32, #tpu.memory_space<hbm>>
        tpu.enqueue_dma source(%dma_start3A_211 : memref<64x128xf32, #tpu.memory_space<hbm>>) target(%dma_start3A_209 : memref<64x128xf32, #tpu.memory_space<vmem>>) target_semaphore(%arg15 : memref<!tpu.dma_semaphore, #tpu.memory_space<semaphore_mem>>)
      } else {
      }
      %lt3A_59 = arith.constant 1 : i32
      %lt3A_60 = arith.cmpi slt, %scan3A_50, %lt3A_59 : i32
      %convert_element_type3A_61 = arith.extui %lt3A_60 : i1 to i32
      %cond3A_62 = arith.constant 0 : i32
      %cond3A_63 = arith.cmpi ne, %convert_element_type3A_61, %cond3A_62 : i32
      scf.if %cond3A_63 {
        %add3A_191 = arith.addi %mul3A_2, %add3A_54 : i32
        %add3A_192 = arith.constant 2 : i32
        %add3A_193 = arith.addi %add3A_191, %add3A_192 : i32
        %mul3A_194 = arith.constant 128 : i32
        %mul3A_195 = arith.muli %add3A_193, %mul3A_194 : i32
        %dma_start3A_196 = arith.constant 0 : i32
        %dma_start3A_197 = arith.constant 0 : i32
        %dma_start3A_198 = tpu.memref_slice %arg7[%dma_start3A_196, %dma_start3A_197] : memref<64x137xf32, #tpu.memory_space<vmem>> -> memref<64x128xf32, #tpu.memory_space<vmem>>
        %dma_start3A_199 = arith.constant 0 : i32
        %dma_start3A_200 = tpu.memref_slice %arg2[%dma_start3A_199, %mul3A_195] : memref<64x1000000xf32, #tpu.memory_space<hbm>> -> memref<64x128xf32, #tpu.memory_space<hbm>>
        %dma_start3A_201 = arith.constant 0 : i32
        %dma_start3A_202 = arith.constant 0 : i32
        %dma_start3A_203 = tpu.memref_slice %arg7[%dma_start3A_201, %dma_start3A_202] : memref<64x137xf32, #tpu.memory_space<vmem>> -> memref<64x128xf32, #tpu.memory_space<vmem>>
        %dma_start3A_204 = arith.constant 0 : i32
        %dma_start3A_205 = tpu.memref_slice %arg2[%dma_start3A_204, %mul3A_195] : memref<64x1000000xf32, #tpu.memory_space<hbm>> -> memref<64x128xf32, #tpu.memory_space<hbm>>
        tpu.enqueue_dma source(%dma_start3A_205 : memref<64x128xf32, #tpu.memory_space<hbm>>) target(%dma_start3A_203 : memref<64x128xf32, #tpu.memory_space<vmem>>) target_semaphore(%arg15 : memref<!tpu.dma_semaphore, #tpu.memory_space<semaphore_mem>>)
      } else {
      }
      %dma_wait3A_64 = arith.constant 0 : i32
      %dma_wait3A_65 = arith.constant 0 : i32
      %dma_wait3A_66 = tpu.memref_slice %arg5[%dma_wait3A_64, %dma_wait3A_65] : memref<64x137xf32, #tpu.memory_space<vmem>> -> memref<64x128xf32, #tpu.memory_space<vmem>>
      %dma_wait3A_67 = arith.constant 0 : i32
      %dma_wait3A_68 = arith.constant 0 : i32
      %dma_wait3A_69 = tpu.memref_slice %arg2[%dma_wait3A_67, %dma_wait3A_68] : memref<64x1000000xf32, #tpu.memory_space<hbm>> -> memref<64x128xf32, #tpu.memory_space<hbm>>
      %dma_wait3A_70 = arith.constant 0 : i32
      %dma_wait3A_71 = arith.constant 0 : i32
      %dma_wait3A_72 = tpu.memref_slice %arg5[%dma_wait3A_70, %dma_wait3A_71] : memref<64x137xf32, #tpu.memory_space<vmem>> -> memref<64x128xf32, #tpu.memory_space<vmem>>
      %dma_wait3A_73 = arith.constant 0 : i32
      %dma_wait3A_74 = arith.constant 0 : i32
      %dma_wait3A_75 = tpu.memref_slice %arg2[%dma_wait3A_73, %dma_wait3A_74] : memref<64x1000000xf32, #tpu.memory_space<hbm>> -> memref<64x128xf32, #tpu.memory_space<hbm>>
      tpu.wait_dma2 semaphore(%arg13 : memref<!tpu.dma_semaphore, #tpu.memory_space<semaphore_mem>>) src(%dma_wait3A_75 : memref<64x128xf32, #tpu.memory_space<hbm>>) dst(%dma_wait3A_72 : memref<64x128xf32, #tpu.memory_space<vmem>>)
      %barrier3A = arith.constant 0 : index
      tpu.barrier barrier_id(%barrier3A)
      %barrier3A_76 = arith.constant 0 : index
      tpu.barrier barrier_id(%barrier3A_76)
      %add3A_77 = arith.addi %mul3A_2, %add3A_54 : i32
      %mul3A_78 = arith.constant 64 : i32
      %mul3A_79 = arith.muli %add3A_77, %mul3A_78 : i32
      %dma_start3A_80 = arith.constant 0 : i32
      %dma_start3A_81 = tpu.memref_slice %arg4[%mul3A_79, %dma_start3A_80] : memref<500000x128xf32, #tpu.memory_space<hbm>> -> memref<64x128xf32, #tpu.memory_space<hbm>>
      %dma_start3A_82 = arith.constant 0 : i32
      %dma_start3A_83 = tpu.memref_slice %arg4[%mul3A_79, %dma_start3A_82] : memref<500000x128xf32, #tpu.memory_space<hbm>> -> memref<64x128xf32, #tpu.memory_space<hbm>>
      tpu.enqueue_dma source(%arg9 : memref<64x128xf32, #tpu.memory_space<vmem>>) target(%dma_start3A_83 : memref<64x128xf32, #tpu.memory_space<hbm>>) target_semaphore(%arg17 : memref<!tpu.dma_semaphore, #tpu.memory_space<semaphore_mem>>)
      %mul3A_84 = arith.constant 4 : i32
      %mul3A_85 = arith.muli %mul3A_84, %scan3A_50 : i32
      %add3A_86 = arith.constant 1 : i32
      %add3A_87 = arith.addi %mul3A_85, %add3A_86 : i32
      %ge3A_88 = arith.constant 1 : i32
      %ge3A_89 = arith.cmpi sge, %scan3A_50, %ge3A_88 : i32
      %convert_element_type3A_90 = arith.extui %ge3A_89 : i1 to i32
      %cond3A_91 = arith.constant 0 : i32
      %cond3A_92 = arith.cmpi ne, %convert_element_type3A_90, %cond3A_91 : i32
      scf.if %cond3A_92 {
        %dma_wait3A_191 = arith.constant 0 : i32
        %dma_wait3A_192 = arith.constant 0 : i32
        %dma_wait3A_193 = tpu.memref_slice %arg4[%dma_wait3A_191, %dma_wait3A_192] : memref<500000x128xf32, #tpu.memory_space<hbm>> -> memref<64x128xf32, #tpu.memory_space<hbm>>
        %dma_wait3A_194 = arith.constant 0 : i32
        %dma_wait3A_195 = arith.constant 0 : i32
        %dma_wait3A_196 = tpu.memref_slice %arg4[%dma_wait3A_194, %dma_wait3A_195] : memref<500000x128xf32, #tpu.memory_space<hbm>> -> memref<64x128xf32, #tpu.memory_space<hbm>>
        tpu.wait_dma2 semaphore(%arg20 : memref<!tpu.dma_semaphore, #tpu.memory_space<semaphore_mem>>) src(%arg12 : memref<64x128xf32, #tpu.memory_space<vmem>>) dst(%dma_wait3A_196 : memref<64x128xf32, #tpu.memory_space<hbm>>)
        %add3A_197 = arith.addi %mul3A_2, %add3A_87 : i32
        %add3A_198 = arith.constant 2 : i32
        %add3A_199 = arith.addi %add3A_197, %add3A_198 : i32
        %mul3A_200 = arith.constant 128 : i32
        %mul3A_201 = arith.muli %add3A_199, %mul3A_200 : i32
        %dma_start3A_202 = arith.constant 0 : i32
        %dma_start3A_203 = arith.constant 0 : i32
        %dma_start3A_204 = tpu.memref_slice %arg8[%dma_start3A_202, %dma_start3A_203] : memref<64x137xf32, #tpu.memory_space<vmem>> -> memref<64x128xf32, #tpu.memory_space<vmem>>
        %dma_start3A_205 = arith.constant 0 : i32
        %dma_start3A_206 = tpu.memref_slice %arg2[%dma_start3A_205, %mul3A_201] : memref<64x1000000xf32, #tpu.memory_space<hbm>> -> memref<64x128xf32, #tpu.memory_space<hbm>>
        %dma_start3A_207 = arith.constant 0 : i32
        %dma_start3A_208 = arith.constant 0 : i32
        %dma_start3A_209 = tpu.memref_slice %arg8[%dma_start3A_207, %dma_start3A_208] : memref<64x137xf32, #tpu.memory_space<vmem>> -> memref<64x128xf32, #tpu.memory_space<vmem>>
        %dma_start3A_210 = arith.constant 0 : i32
        %dma_start3A_211 = tpu.memref_slice %arg2[%dma_start3A_210, %mul3A_201] : memref<64x1000000xf32, #tpu.memory_space<hbm>> -> memref<64x128xf32, #tpu.memory_space<hbm>>
        tpu.enqueue_dma source(%dma_start3A_211 : memref<64x128xf32, #tpu.memory_space<hbm>>) target(%dma_start3A_209 : memref<64x128xf32, #tpu.memory_space<vmem>>) target_semaphore(%arg16 : memref<!tpu.dma_semaphore, #tpu.memory_space<semaphore_mem>>)
      } else {
      }
      %lt3A_93 = arith.constant 1 : i32
      %lt3A_94 = arith.cmpi slt, %scan3A_50, %lt3A_93 : i32
      %convert_element_type3A_95 = arith.extui %lt3A_94 : i1 to i32
      %cond3A_96 = arith.constant 0 : i32
      %cond3A_97 = arith.cmpi ne, %convert_element_type3A_95, %cond3A_96 : i32
      scf.if %cond3A_97 {
        %add3A_191 = arith.addi %mul3A_2, %add3A_87 : i32
        %add3A_192 = arith.constant 2 : i32
        %add3A_193 = arith.addi %add3A_191, %add3A_192 : i32
        %mul3A_194 = arith.constant 128 : i32
        %mul3A_195 = arith.muli %add3A_193, %mul3A_194 : i32
        %dma_start3A_196 = arith.constant 0 : i32
        %dma_start3A_197 = arith.constant 0 : i32
        %dma_start3A_198 = tpu.memref_slice %arg8[%dma_start3A_196, %dma_start3A_197] : memref<64x137xf32, #tpu.memory_space<vmem>> -> memref<64x128xf32, #tpu.memory_space<vmem>>
        %dma_start3A_199 = arith.constant 0 : i32
        %dma_start3A_200 = tpu.memref_slice %arg2[%dma_start3A_199, %mul3A_195] : memref<64x1000000xf32, #tpu.memory_space<hbm>> -> memref<64x128xf32, #tpu.memory_space<hbm>>
        %dma_start3A_201 = arith.constant 0 : i32
        %dma_start3A_202 = arith.constant 0 : i32
        %dma_start3A_203 = tpu.memref_slice %arg8[%dma_start3A_201, %dma_start3A_202] : memref<64x137xf32, #tpu.memory_space<vmem>> -> memref<64x128xf32, #tpu.memory_space<vmem>>
        %dma_start3A_204 = arith.constant 0 : i32
        %dma_start3A_205 = tpu.memref_slice %arg2[%dma_start3A_204, %mul3A_195] : memref<64x1000000xf32, #tpu.memory_space<hbm>> -> memref<64x128xf32, #tpu.memory_space<hbm>>
        tpu.enqueue_dma source(%dma_start3A_205 : memref<64x128xf32, #tpu.memory_space<hbm>>) target(%dma_start3A_203 : memref<64x128xf32, #tpu.memory_space<vmem>>) target_semaphore(%arg16 : memref<!tpu.dma_semaphore, #tpu.memory_space<semaphore_mem>>)
      } else {
      }
      %dma_wait3A_98 = arith.constant 0 : i32
      %dma_wait3A_99 = arith.constant 0 : i32
      %dma_wait3A_100 = tpu.memref_slice %arg6[%dma_wait3A_98, %dma_wait3A_99] : memref<64x137xf32, #tpu.memory_space<vmem>> -> memref<64x128xf32, #tpu.memory_space<vmem>>
      %dma_wait3A_101 = arith.constant 0 : i32
      %dma_wait3A_102 = arith.constant 0 : i32
      %dma_wait3A_103 = tpu.memref_slice %arg2[%dma_wait3A_101, %dma_wait3A_102] : memref<64x1000000xf32, #tpu.memory_space<hbm>> -> memref<64x128xf32, #tpu.memory_space<hbm>>
      %dma_wait3A_104 = arith.constant 0 : i32
      %dma_wait3A_105 = arith.constant 0 : i32
      %dma_wait3A_106 = tpu.memref_slice %arg6[%dma_wait3A_104, %dma_wait3A_105] : memref<64x137xf32, #tpu.memory_space<vmem>> -> memref<64x128xf32, #tpu.memory_space<vmem>>
      %dma_wait3A_107 = arith.constant 0 : i32
      %dma_wait3A_108 = arith.constant 0 : i32
      %dma_wait3A_109 = tpu.memref_slice %arg2[%dma_wait3A_107, %dma_wait3A_108] : memref<64x1000000xf32, #tpu.memory_space<hbm>> -> memref<64x128xf32, #tpu.memory_space<hbm>>
      tpu.wait_dma2 semaphore(%arg14 : memref<!tpu.dma_semaphore, #tpu.memory_space<semaphore_mem>>) src(%dma_wait3A_109 : memref<64x128xf32, #tpu.memory_space<hbm>>) dst(%dma_wait3A_106 : memref<64x128xf32, #tpu.memory_space<vmem>>)
      %barrier3A_110 = arith.constant 0 : index
      tpu.barrier barrier_id(%barrier3A_110)
      %barrier3A_111 = arith.constant 0 : index
      tpu.barrier barrier_id(%barrier3A_111)
      %add3A_112 = arith.addi %mul3A_2, %add3A_87 : i32
      %mul3A_113 = arith.constant 64 : i32
      %mul3A_114 = arith.muli %add3A_112, %mul3A_113 : i32
      %dma_start3A_115 = arith.constant 0 : i32
      %dma_start3A_116 = tpu.memref_slice %arg4[%mul3A_114, %dma_start3A_115] : memref<500000x128xf32, #tpu.memory_space<hbm>> -> memref<64x128xf32, #tpu.memory_space<hbm>>
      %dma_start3A_117 = arith.constant 0 : i32
      %dma_start3A_118 = tpu.memref_slice %arg4[%mul3A_114, %dma_start3A_117] : memref<500000x128xf32, #tpu.memory_space<hbm>> -> memref<64x128xf32, #tpu.memory_space<hbm>>
      tpu.enqueue_dma source(%arg10 : memref<64x128xf32, #tpu.memory_space<vmem>>) target(%dma_start3A_118 : memref<64x128xf32, #tpu.memory_space<hbm>>) target_semaphore(%arg18 : memref<!tpu.dma_semaphore, #tpu.memory_space<semaphore_mem>>)
      %mul3A_119 = arith.constant 4 : i32
      %mul3A_120 = arith.muli %mul3A_119, %scan3A_50 : i32
      %add3A_121 = arith.constant 2 : i32
      %add3A_122 = arith.addi %mul3A_120, %add3A_121 : i32
      %dma_wait3A_123 = arith.constant 0 : i32
      %dma_wait3A_124 = arith.constant 0 : i32
      %dma_wait3A_125 = tpu.memref_slice %arg4[%dma_wait3A_123, %dma_wait3A_124] : memref<500000x128xf32, #tpu.memory_space<hbm>> -> memref<64x128xf32, #tpu.memory_space<hbm>>
      %dma_wait3A_126 = arith.constant 0 : i32
      %dma_wait3A_127 = arith.constant 0 : i32
      %dma_wait3A_128 = tpu.memref_slice %arg4[%dma_wait3A_126, %dma_wait3A_127] : memref<500000x128xf32, #tpu.memory_space<hbm>> -> memref<64x128xf32, #tpu.memory_space<hbm>>
      tpu.wait_dma2 semaphore(%arg17 : memref<!tpu.dma_semaphore, #tpu.memory_space<semaphore_mem>>) src(%arg9 : memref<64x128xf32, #tpu.memory_space<vmem>>) dst(%dma_wait3A_128 : memref<64x128xf32, #tpu.memory_space<hbm>>)
      %lt3A_129 = arith.constant 60 : i32
      %lt3A_130 = arith.cmpi slt, %scan3A_50, %lt3A_129 : i32
      %convert_element_type3A_131 = arith.extui %lt3A_130 : i1 to i32
      %cond3A_132 = arith.constant 0 : i32
      %cond3A_133 = arith.cmpi ne, %convert_element_type3A_131, %cond3A_132 : i32
      scf.if %cond3A_133 {
        %add3A_191 = arith.addi %mul3A_2, %add3A_122 : i32
        %add3A_192 = arith.constant 2 : i32
        %add3A_193 = arith.addi %add3A_191, %add3A_192 : i32
        %mul3A_194 = arith.constant 128 : i32
        %mul3A_195 = arith.muli %add3A_193, %mul3A_194 : i32
        %dma_start3A_196 = arith.constant 0 : i32
        %dma_start3A_197 = arith.constant 0 : i32
        %dma_start3A_198 = tpu.memref_slice %arg5[%dma_start3A_196, %dma_start3A_197] : memref<64x137xf32, #tpu.memory_space<vmem>> -> memref<64x128xf32, #tpu.memory_space<vmem>>
        %dma_start3A_199 = arith.constant 0 : i32
        %dma_start3A_200 = tpu.memref_slice %arg2[%dma_start3A_199, %mul3A_195] : memref<64x1000000xf32, #tpu.memory_space<hbm>> -> memref<64x128xf32, #tpu.memory_space<hbm>>
        %dma_start3A_201 = arith.constant 0 : i32
        %dma_start3A_202 = arith.constant 0 : i32
        %dma_start3A_203 = tpu.memref_slice %arg5[%dma_start3A_201, %dma_start3A_202] : memref<64x137xf32, #tpu.memory_space<vmem>> -> memref<64x128xf32, #tpu.memory_space<vmem>>
        %dma_start3A_204 = arith.constant 0 : i32
        %dma_start3A_205 = tpu.memref_slice %arg2[%dma_start3A_204, %mul3A_195] : memref<64x1000000xf32, #tpu.memory_space<hbm>> -> memref<64x128xf32, #tpu.memory_space<hbm>>
        tpu.enqueue_dma source(%dma_start3A_205 : memref<64x128xf32, #tpu.memory_space<hbm>>) target(%dma_start3A_203 : memref<64x128xf32, #tpu.memory_space<vmem>>) target_semaphore(%arg13 : memref<!tpu.dma_semaphore, #tpu.memory_space<semaphore_mem>>)
      } else {
      }
      %dma_wait3A_134 = arith.constant 0 : i32
      %dma_wait3A_135 = arith.constant 0 : i32
      %dma_wait3A_136 = tpu.memref_slice %arg7[%dma_wait3A_134, %dma_wait3A_135] : memref<64x137xf32, #tpu.memory_space<vmem>> -> memref<64x128xf32, #tpu.memory_space<vmem>>
      %dma_wait3A_137 = arith.constant 0 : i32
      %dma_wait3A_138 = arith.constant 0 : i32
      %dma_wait3A_139 = tpu.memref_slice %arg2[%dma_wait3A_137, %dma_wait3A_138] : memref<64x1000000xf32, #tpu.memory_space<hbm>> -> memref<64x128xf32, #tpu.memory_space<hbm>>
      %dma_wait3A_140 = arith.constant 0 : i32
      %dma_wait3A_141 = arith.constant 0 : i32
      %dma_wait3A_142 = tpu.memref_slice %arg7[%dma_wait3A_140, %dma_wait3A_141] : memref<64x137xf32, #tpu.memory_space<vmem>> -> memref<64x128xf32, #tpu.memory_space<vmem>>
      %dma_wait3A_143 = arith.constant 0 : i32
      %dma_wait3A_144 = arith.constant 0 : i32
      %dma_wait3A_145 = tpu.memref_slice %arg2[%dma_wait3A_143, %dma_wait3A_144] : memref<64x1000000xf32, #tpu.memory_space<hbm>> -> memref<64x128xf32, #tpu.memory_space<hbm>>
      tpu.wait_dma2 semaphore(%arg15 : memref<!tpu.dma_semaphore, #tpu.memory_space<semaphore_mem>>) src(%dma_wait3A_145 : memref<64x128xf32, #tpu.memory_space<hbm>>) dst(%dma_wait3A_142 : memref<64x128xf32, #tpu.memory_space<vmem>>)
      %barrier3A_146 = arith.constant 0 : index
      tpu.barrier barrier_id(%barrier3A_146)
      %barrier3A_147 = arith.constant 0 : index
      tpu.barrier barrier_id(%barrier3A_147)
      %add3A_148 = arith.addi %mul3A_2, %add3A_122 : i32
      %mul3A_149 = arith.constant 64 : i32
      %mul3A_150 = arith.muli %add3A_148, %mul3A_149 : i32
      %dma_start3A_151 = arith.constant 0 : i32
      %dma_start3A_152 = tpu.memref_slice %arg4[%mul3A_150, %dma_start3A_151] : memref<500000x128xf32, #tpu.memory_space<hbm>> -> memref<64x128xf32, #tpu.memory_space<hbm>>
      %dma_start3A_153 = arith.constant 0 : i32
      %dma_start3A_154 = tpu.memref_slice %arg4[%mul3A_150, %dma_start3A_153] : memref<500000x128xf32, #tpu.memory_space<hbm>> -> memref<64x128xf32, #tpu.memory_space<hbm>>
      tpu.enqueue_dma source(%arg11 : memref<64x128xf32, #tpu.memory_space<vmem>>) target(%dma_start3A_154 : memref<64x128xf32, #tpu.memory_space<hbm>>) target_semaphore(%arg19 : memref<!tpu.dma_semaphore, #tpu.memory_space<semaphore_mem>>)
      %mul3A_155 = arith.constant 4 : i32
      %mul3A_156 = arith.muli %mul3A_155, %scan3A_50 : i32
      %add3A_157 = arith.constant 3 : i32
      %add3A_158 = arith.addi %mul3A_156, %add3A_157 : i32
      %dma_wait3A_159 = arith.constant 0 : i32
      %dma_wait3A_160 = arith.constant 0 : i32
      %dma_wait3A_161 = tpu.memref_slice %arg4[%dma_wait3A_159, %dma_wait3A_160] : memref<500000x128xf32, #tpu.memory_space<hbm>> -> memref<64x128xf32, #tpu.memory_space<hbm>>
      %dma_wait3A_162 = arith.constant 0 : i32
      %dma_wait3A_163 = arith.constant 0 : i32
      %dma_wait3A_164 = tpu.memref_slice %arg4[%dma_wait3A_162, %dma_wait3A_163] : memref<500000x128xf32, #tpu.memory_space<hbm>> -> memref<64x128xf32, #tpu.memory_space<hbm>>
      tpu.wait_dma2 semaphore(%arg18 : memref<!tpu.dma_semaphore, #tpu.memory_space<semaphore_mem>>) src(%arg10 : memref<64x128xf32, #tpu.memory_space<vmem>>) dst(%dma_wait3A_164 : memref<64x128xf32, #tpu.memory_space<hbm>>)
      %lt3A_165 = arith.constant 60 : i32
      %lt3A_166 = arith.cmpi slt, %scan3A_50, %lt3A_165 : i32
      %convert_element_type3A_167 = arith.extui %lt3A_166 : i1 to i32
      %cond3A_168 = arith.constant 0 : i32
      %cond3A_169 = arith.cmpi ne, %convert_element_type3A_167, %cond3A_168 : i32
      scf.if %cond3A_169 {
        %add3A_191 = arith.addi %mul3A_2, %add3A_158 : i32
        %add3A_192 = arith.constant 2 : i32
        %add3A_193 = arith.addi %add3A_191, %add3A_192 : i32
        %mul3A_194 = arith.constant 128 : i32
        %mul3A_195 = arith.muli %add3A_193, %mul3A_194 : i32
        %dma_start3A_196 = arith.constant 0 : i32
        %dma_start3A_197 = arith.constant 0 : i32
        %dma_start3A_198 = tpu.memref_slice %arg6[%dma_start3A_196, %dma_start3A_197] : memref<64x137xf32, #tpu.memory_space<vmem>> -> memref<64x128xf32, #tpu.memory_space<vmem>>
        %dma_start3A_199 = arith.constant 0 : i32
        %dma_start3A_200 = tpu.memref_slice %arg2[%dma_start3A_199, %mul3A_195] : memref<64x1000000xf32, #tpu.memory_space<hbm>> -> memref<64x128xf32, #tpu.memory_space<hbm>>
        %dma_start3A_201 = arith.constant 0 : i32
        %dma_start3A_202 = arith.constant 0 : i32
        %dma_start3A_203 = tpu.memref_slice %arg6[%dma_start3A_201, %dma_start3A_202] : memref<64x137xf32, #tpu.memory_space<vmem>> -> memref<64x128xf32, #tpu.memory_space<vmem>>
        %dma_start3A_204 = arith.constant 0 : i32
        %dma_start3A_205 = tpu.memref_slice %arg2[%dma_start3A_204, %mul3A_195] : memref<64x1000000xf32, #tpu.memory_space<hbm>> -> memref<64x128xf32, #tpu.memory_space<hbm>>
        tpu.enqueue_dma source(%dma_start3A_205 : memref<64x128xf32, #tpu.memory_space<hbm>>) target(%dma_start3A_203 : memref<64x128xf32, #tpu.memory_space<vmem>>) target_semaphore(%arg14 : memref<!tpu.dma_semaphore, #tpu.memory_space<semaphore_mem>>)
      } else {
      }
      %dma_wait3A_170 = arith.constant 0 : i32
      %dma_wait3A_171 = arith.constant 0 : i32
      %dma_wait3A_172 = tpu.memref_slice %arg8[%dma_wait3A_170, %dma_wait3A_171] : memref<64x137xf32, #tpu.memory_space<vmem>> -> memref<64x128xf32, #tpu.memory_space<vmem>>
      %dma_wait3A_173 = arith.constant 0 : i32
      %dma_wait3A_174 = arith.constant 0 : i32
      %dma_wait3A_175 = tpu.memref_slice %arg2[%dma_wait3A_173, %dma_wait3A_174] : memref<64x1000000xf32, #tpu.memory_space<hbm>> -> memref<64x128xf32, #tpu.memory_space<hbm>>
      %dma_wait3A_176 = arith.constant 0 : i32
      %dma_wait3A_177 = arith.constant 0 : i32
      %dma_wait3A_178 = tpu.memref_slice %arg8[%dma_wait3A_176, %dma_wait3A_177] : memref<64x137xf32, #tpu.memory_space<vmem>> -> memref<64x128xf32, #tpu.memory_space<vmem>>
      %dma_wait3A_179 = arith.constant 0 : i32
      %dma_wait3A_180 = arith.constant 0 : i32
      %dma_wait3A_181 = tpu.memref_slice %arg2[%dma_wait3A_179, %dma_wait3A_180] : memref<64x1000000xf32, #tpu.memory_space<hbm>> -> memref<64x128xf32, #tpu.memory_space<hbm>>
      tpu.wait_dma2 semaphore(%arg16 : memref<!tpu.dma_semaphore, #tpu.memory_space<semaphore_mem>>) src(%dma_wait3A_181 : memref<64x128xf32, #tpu.memory_space<hbm>>) dst(%dma_wait3A_178 : memref<64x128xf32, #tpu.memory_space<vmem>>)
      %barrier3A_182 = arith.constant 0 : index
      tpu.barrier barrier_id(%barrier3A_182)
      %barrier3A_183 = arith.constant 0 : index
      tpu.barrier barrier_id(%barrier3A_183)
      %add3A_184 = arith.addi %mul3A_2, %add3A_158 : i32
      %mul3A_185 = arith.constant 64 : i32
      %mul3A_186 = arith.muli %add3A_184, %mul3A_185 : i32
      %dma_start3A_187 = arith.constant 0 : i32
      %dma_start3A_188 = tpu.memref_slice %arg4[%mul3A_186, %dma_start3A_187] : memref<500000x128xf32, #tpu.memory_space<hbm>> -> memref<64x128xf32, #tpu.memory_space<hbm>>
      %dma_start3A_189 = arith.constant 0 : i32
      %dma_start3A_190 = tpu.memref_slice %arg4[%mul3A_186, %dma_start3A_189] : memref<500000x128xf32, #tpu.memory_space<hbm>> -> memref<64x128xf32, #tpu.memory_space<hbm>>
      tpu.enqueue_dma source(%arg12 : memref<64x128xf32, #tpu.memory_space<vmem>>) target(%dma_start3A_190 : memref<64x128xf32, #tpu.memory_space<hbm>>) target_semaphore(%arg20 : memref<!tpu.dma_semaphore, #tpu.memory_space<semaphore_mem>>)
    }
    %scan3A_32 = arith.constant 61 : i32
    %dma_wait3A = arith.constant 0 : i32
    %dma_wait3A_33 = arith.constant 0 : i32
    %dma_wait3A_34 = tpu.memref_slice %arg4[%dma_wait3A, %dma_wait3A_33] : memref<500000x128xf32, #tpu.memory_space<hbm>> -> memref<64x128xf32, #tpu.memory_space<hbm>>
    %dma_wait3A_35 = arith.constant 0 : i32
    %dma_wait3A_36 = arith.constant 0 : i32
    %dma_wait3A_37 = tpu.memref_slice %arg4[%dma_wait3A_35, %dma_wait3A_36] : memref<500000x128xf32, #tpu.memory_space<hbm>> -> memref<64x128xf32, #tpu.memory_space<hbm>>
    tpu.wait_dma2 semaphore(%arg19 : memref<!tpu.dma_semaphore, #tpu.memory_space<semaphore_mem>>) src(%arg11 : memref<64x128xf32, #tpu.memory_space<vmem>>) dst(%dma_wait3A_37 : memref<64x128xf32, #tpu.memory_space<hbm>>)
    %dma_wait3A_38 = arith.constant 0 : i32
    %dma_wait3A_39 = arith.constant 0 : i32
    %dma_wait3A_40 = tpu.memref_slice %arg4[%dma_wait3A_38, %dma_wait3A_39] : memref<500000x128xf32, #tpu.memory_space<hbm>> -> memref<64x128xf32, #tpu.memory_space<hbm>>
    %dma_wait3A_41 = arith.constant 0 : i32
    %dma_wait3A_42 = arith.constant 0 : i32
    %dma_wait3A_43 = tpu.memref_slice %arg4[%dma_wait3A_41, %dma_wait3A_42] : memref<500000x128xf32, #tpu.memory_space<hbm>> -> memref<64x128xf32, #tpu.memory_space<hbm>>
    tpu.wait_dma2 semaphore(%arg20 : memref<!tpu.dma_semaphore, #tpu.memory_space<semaphore_mem>>) src(%arg12 : memref<64x128xf32, #tpu.memory_space<vmem>>) dst(%dma_wait3A_43 : memref<64x128xf32, #tpu.memory_space<hbm>>)
    %lt3A = arith.constant 4 : i32
    %lt3A_44 = arith.cmpi slt, %add3A, %lt3A : i32
    %convert_element_type3A = arith.extui %lt3A_44 : i1 to i32
    %cond3A = arith.constant 0 : i32
    %cond3A_45 = arith.cmpi ne, %convert_element_type3A, %cond3A : i32
    scf.if %cond3A_45 {
      %add3A_50 = arith.constant 7808 : i32
      %add3A_51 = arith.addi %add3A_50, %add3A : i32
      %mul3A_52 = arith.constant 128 : i32
      %mul3A_53 = arith.muli %add3A_51, %mul3A_52 : i32
      %dma_start3A_54 = arith.constant 0 : i32
      %dma_start3A_55 = arith.constant 0 : i32
      %dma_start3A_56 = tpu.memref_slice %arg5[%dma_start3A_54, %dma_start3A_55] : memref<64x137xf32, #tpu.memory_space<vmem>> -> memref<64x128xf32, #tpu.memory_space<vmem>>
      %dma_start3A_57 = arith.constant 0 : i32
      %dma_start3A_58 = tpu.memref_slice %arg2[%dma_start3A_57, %mul3A_53] : memref<64x1000000xf32, #tpu.memory_space<hbm>> -> memref<64x128xf32, #tpu.memory_space<hbm>>
      %dma_start3A_59 = arith.constant 0 : i32
      %dma_start3A_60 = arith.constant 0 : i32
      %dma_start3A_61 = tpu.memref_slice %arg5[%dma_start3A_59, %dma_start3A_60] : memref<64x137xf32, #tpu.memory_space<vmem>> -> memref<64x128xf32, #tpu.memory_space<vmem>>
      %dma_start3A_62 = arith.constant 0 : i32
      %dma_start3A_63 = tpu.memref_slice %arg2[%dma_start3A_62, %mul3A_53] : memref<64x1000000xf32, #tpu.memory_space<hbm>> -> memref<64x128xf32, #tpu.memory_space<hbm>>
      tpu.enqueue_dma source(%dma_start3A_63 : memref<64x128xf32, #tpu.memory_space<hbm>>) target(%dma_start3A_61 : memref<64x128xf32, #tpu.memory_space<vmem>>) target_semaphore(%arg13 : memref<!tpu.dma_semaphore, #tpu.memory_space<semaphore_mem>>)
      %dma_wait3A_64 = arith.constant 0 : i32
      %dma_wait3A_65 = arith.constant 0 : i32
      %dma_wait3A_66 = tpu.memref_slice %arg5[%dma_wait3A_64, %dma_wait3A_65] : memref<64x137xf32, #tpu.memory_space<vmem>> -> memref<64x128xf32, #tpu.memory_space<vmem>>
      %dma_wait3A_67 = arith.constant 0 : i32
      %dma_wait3A_68 = arith.constant 0 : i32
      %dma_wait3A_69 = tpu.memref_slice %arg2[%dma_wait3A_67, %dma_wait3A_68] : memref<64x1000000xf32, #tpu.memory_space<hbm>> -> memref<64x128xf32, #tpu.memory_space<hbm>>
      %dma_wait3A_70 = arith.constant 0 : i32
      %dma_wait3A_71 = arith.constant 0 : i32
      %dma_wait3A_72 = tpu.memref_slice %arg5[%dma_wait3A_70, %dma_wait3A_71] : memref<64x137xf32, #tpu.memory_space<vmem>> -> memref<64x128xf32, #tpu.memory_space<vmem>>
      %dma_wait3A_73 = arith.constant 0 : i32
      %dma_wait3A_74 = arith.constant 0 : i32
      %dma_wait3A_75 = tpu.memref_slice %arg2[%dma_wait3A_73, %dma_wait3A_74] : memref<64x1000000xf32, #tpu.memory_space<hbm>> -> memref<64x128xf32, #tpu.memory_space<hbm>>
      tpu.wait_dma2 semaphore(%arg13 : memref<!tpu.dma_semaphore, #tpu.memory_space<semaphore_mem>>) src(%dma_wait3A_75 : memref<64x128xf32, #tpu.memory_space<hbm>>) dst(%dma_wait3A_72 : memref<64x128xf32, #tpu.memory_space<vmem>>)
      %scan3A_76 = arith.constant 0 : i32
      %scan3A_77 = arith.constant 0 : i32
      %scan3A_78 = arith.constant 64 : i32
      %scan3A_79 = arith.addi %scan3A_77, %scan3A_78 : i32
      %scan3A_80 = arith.constant 1 : i32
      scf.for %scan3A_84 = %scan3A_77 to %scan3A_79 step %scan3A_80  : i32 {
        %mul3A_85 = arith.constant 2 : i32
        %mul3A_86 = arith.muli %mul3A_85, %scan3A_84 : i32
        %add3A_87 = arith.constant 0 : i32
        %add3A_88 = arith.addi %mul3A_86, %add3A_87 : i32
        %broadcast_in_dim3A = arith.constant 0 : i32
        %broadcast_in_dim3A_89 = vector.broadcast %broadcast_in_dim3A : i32 to vector<16xi32>
        %add3A_90 = vector.broadcast %add3A_88 : i32 to vector<16xi32>
        %add3A_91 = arith.addi %broadcast_in_dim3A_89, %add3A_90 : vector<16xi32>
        %add3A_92 = arith.constant 0 : i32
        %add3A_93 = vector.broadcast %add3A_92 : i32 to vector<16xi32>
        %add3A_94 = arith.addi %add3A_93, %iota3A : vector<16xi32>
        %gather3A = tpu.vector_load_idx %arg5[%add3A_94, %add3A_91] : memref<64x137xf32, #tpu.memory_space<vmem>>[vector<16xi32>, vector<16xi32>], vector<16xf32>,
        %swap3A = arith.index_cast %scan3A_84 : i32 to index
        %swap3A_95 = arith.constant 0 : index
        %swap3A_96 = tpu.vector_load %arg9[%swap3A, %swap3A_95] {strides = array<i32>} : memref<64x128xf32, #tpu.memory_space<vmem>>, vector<16xf32>,
        tpu.vector_store %arg9[%swap3A, %swap3A_95], %gather3A {strides = array<i32>} : memref<64x128xf32, #tpu.memory_space<vmem>>, vector<16xf32>,
        %add3A_97 = arith.constant 16 : i32
        %add3A_98 = vector.broadcast %add3A_97 : i32 to vector<16xi32>
        %add3A_99 = arith.addi %add3A_98, %iota3A : vector<16xi32>
        %gather3A_100 = tpu.vector_load_idx %arg5[%add3A_99, %add3A_91] : memref<64x137xf32, #tpu.memory_space<vmem>>[vector<16xi32>, vector<16xi32>], vector<16xf32>,
        %swap3A_101 = arith.index_cast %scan3A_84 : i32 to index
        %swap3A_102 = arith.constant 16 : index
        %swap3A_103 = tpu.vector_load %arg9[%swap3A_101, %swap3A_102] {strides = array<i32>} : memref<64x128xf32, #tpu.memory_space<vmem>>, vector<16xf32>,
        tpu.vector_store %arg9[%swap3A_101, %swap3A_102], %gather3A_100 {strides = array<i32>} : memref<64x128xf32, #tpu.memory_space<vmem>>, vector<16xf32>,
        %add3A_104 = arith.constant 32 : i32
        %add3A_105 = vector.broadcast %add3A_104 : i32 to vector<16xi32>
        %add3A_106 = arith.addi %add3A_105, %iota3A : vector<16xi32>
        %gather3A_107 = tpu.vector_load_idx %arg5[%add3A_106, %add3A_91] : memref<64x137xf32, #tpu.memory_space<vmem>>[vector<16xi32>, vector<16xi32>], vector<16xf32>,
        %swap3A_108 = arith.index_cast %scan3A_84 : i32 to index
        %swap3A_109 = arith.constant 32 : index
        %swap3A_110 = tpu.vector_load %arg9[%swap3A_108, %swap3A_109] {strides = array<i32>} : memref<64x128xf32, #tpu.memory_space<vmem>>, vector<16xf32>,
        tpu.vector_store %arg9[%swap3A_108, %swap3A_109], %gather3A_107 {strides = array<i32>} : memref<64x128xf32, #tpu.memory_space<vmem>>, vector<16xf32>,
        %add3A_111 = arith.constant 48 : i32
        %add3A_112 = vector.broadcast %add3A_111 : i32 to vector<16xi32>
        %add3A_113 = arith.addi %add3A_112, %iota3A : vector<16xi32>
        %gather3A_114 = tpu.vector_load_idx %arg5[%add3A_113, %add3A_91] : memref<64x137xf32, #tpu.memory_space<vmem>>[vector<16xi32>, vector<16xi32>], vector<16xf32>,
        %swap3A_115 = arith.index_cast %scan3A_84 : i32 to index
        %swap3A_116 = arith.constant 48 : index
        %swap3A_117 = tpu.vector_load %arg9[%swap3A_115, %swap3A_116] {strides = array<i32>} : memref<64x128xf32, #tpu.memory_space<vmem>>, vector<16xf32>,
        tpu.vector_store %arg9[%swap3A_115, %swap3A_116], %gather3A_114 {strides = array<i32>} : memref<64x128xf32, #tpu.memory_space<vmem>>, vector<16xf32>,
        %mul3A_118 = arith.constant 2 : i32
        %mul3A_119 = arith.muli %mul3A_118, %scan3A_84 : i32
        %add3A_120 = arith.constant 1 : i32
        %add3A_121 = arith.addi %mul3A_119, %add3A_120 : i32
        %broadcast_in_dim3A_122 = arith.constant 0 : i32
        %broadcast_in_dim3A_123 = vector.broadcast %broadcast_in_dim3A_122 : i32 to vector<16xi32>
        %add3A_124 = vector.broadcast %add3A_121 : i32 to vector<16xi32>
        %add3A_125 = arith.addi %broadcast_in_dim3A_123, %add3A_124 : vector<16xi32>
        %add3A_126 = arith.constant 0 : i32
        %add3A_127 = vector.broadcast %add3A_126 : i32 to vector<16xi32>
        %add3A_128 = arith.addi %add3A_127, %iota3A : vector<16xi32>
        %gather3A_129 = tpu.vector_load_idx %arg5[%add3A_128, %add3A_125] : memref<64x137xf32, #tpu.memory_space<vmem>>[vector<16xi32>, vector<16xi32>], vector<16xf32>,
        %swap3A_130 = arith.index_cast %scan3A_84 : i32 to index
        %swap3A_131 = arith.constant 64 : index
        %swap3A_132 = tpu.vector_load %arg9[%swap3A_130, %swap3A_131] {strides = array<i32>} : memref<64x128xf32, #tpu.memory_space<vmem>>, vector<16xf32>,
        tpu.vector_store %arg9[%swap3A_130, %swap3A_131], %gather3A_129 {strides = array<i32>} : memref<64x128xf32, #tpu.memory_space<vmem>>, vector<16xf32>,
        %add3A_133 = arith.constant 16 : i32
        %add3A_134 = vector.broadcast %add3A_133 : i32 to vector<16xi32>
        %add3A_135 = arith.addi %add3A_134, %iota3A : vector<16xi32>
        %gather3A_136 = tpu.vector_load_idx %arg5[%add3A_135, %add3A_125] : memref<64x137xf32, #tpu.memory_space<vmem>>[vector<16xi32>, vector<16xi32>], vector<16xf32>,
        %swap3A_137 = arith.index_cast %scan3A_84 : i32 to index
        %swap3A_138 = arith.constant 80 : index
        %swap3A_139 = tpu.vector_load %arg9[%swap3A_137, %swap3A_138] {strides = array<i32>} : memref<64x128xf32, #tpu.memory_space<vmem>>, vector<16xf32>,
        tpu.vector_store %arg9[%swap3A_137, %swap3A_138], %gather3A_136 {strides = array<i32>} : memref<64x128xf32, #tpu.memory_space<vmem>>, vector<16xf32>,
        %add3A_140 = arith.constant 32 : i32
        %add3A_141 = vector.broadcast %add3A_140 : i32 to vector<16xi32>
        %add3A_142 = arith.addi %add3A_141, %iota3A : vector<16xi32>
        %gather3A_143 = tpu.vector_load_idx %arg5[%add3A_142, %add3A_125] : memref<64x137xf32, #tpu.memory_space<vmem>>[vector<16xi32>, vector<16xi32>], vector<16xf32>,
        %swap3A_144 = arith.index_cast %scan3A_84 : i32 to index
        %swap3A_145 = arith.constant 96 : index
        %swap3A_146 = tpu.vector_load %arg9[%swap3A_144, %swap3A_145] {strides = array<i32>} : memref<64x128xf32, #tpu.memory_space<vmem>>, vector<16xf32>,
        tpu.vector_store %arg9[%swap3A_144, %swap3A_145], %gather3A_143 {strides = array<i32>} : memref<64x128xf32, #tpu.memory_space<vmem>>, vector<16xf32>,
        %add3A_147 = arith.constant 48 : i32
        %add3A_148 = vector.broadcast %add3A_147 : i32 to vector<16xi32>
        %add3A_149 = arith.addi %add3A_148, %iota3A : vector<16xi32>
        %gather3A_150 = tpu.vector_load_idx %arg5[%add3A_149, %add3A_125] : memref<64x137xf32, #tpu.memory_space<vmem>>[vector<16xi32>, vector<16xi32>], vector<16xf32>,
        %swap3A_151 = arith.index_cast %scan3A_84 : i32 to index
        %swap3A_152 = arith.constant 112 : index
        %swap3A_153 = tpu.vector_load %arg9[%swap3A_151, %swap3A_152] {strides = array<i32>} : memref<64x128xf32, #tpu.memory_space<vmem>>, vector<16xf32>,
        tpu.vector_store %arg9[%swap3A_151, %swap3A_152], %gather3A_150 {strides = array<i32>} : memref<64x128xf32, #tpu.memory_space<vmem>>, vector<16xf32>,
      }
      %scan3A_81 = arith.constant 64 : i32
      %mul3A_82 = arith.constant 64 : i32
      %mul3A_83 = arith.muli %add3A_51, %mul3A_82 : i32
      "tpu.region"() ({
        %run_scoped3A = tpu.sem_alloc : memref<!tpu.dma_semaphore, #tpu.memory_space<semaphore_mem>>
        %dma_start3A_84 = arith.constant 0 : i32
        %dma_start3A_85 = tpu.memref_slice %arg4[%mul3A_83, %dma_start3A_84] : memref<500000x128xf32, #tpu.memory_space<hbm>> -> memref<64x128xf32, #tpu.memory_space<hbm>>
        %dma_start3A_86 = arith.constant 0 : i32
        %dma_start3A_87 = tpu.memref_slice %arg4[%mul3A_83, %dma_start3A_86] : memref<500000x128xf32, #tpu.memory_space<hbm>> -> memref<64x128xf32, #tpu.memory_space<hbm>>
        tpu.enqueue_dma source(%arg9 : memref<64x128xf32, #tpu.memory_space<vmem>>) target(%dma_start3A_87 : memref<64x128xf32, #tpu.memory_space<hbm>>) target_semaphore(%run_scoped3A : memref<!tpu.dma_semaphore, #tpu.memory_space<semaphore_mem>>)
        %dma_wait3A_88 = arith.constant 0 : i32
        %dma_wait3A_89 = tpu.memref_slice %arg4[%mul3A_83, %dma_wait3A_88] : memref<500000x128xf32, #tpu.memory_space<hbm>> -> memref<64x128xf32, #tpu.memory_space<hbm>>
        %dma_wait3A_90 = arith.constant 0 : i32
        %dma_wait3A_91 = tpu.memref_slice %arg4[%mul3A_83, %dma_wait3A_90] : memref<500000x128xf32, #tpu.memory_space<hbm>> -> memref<64x128xf32, #tpu.memory_space<hbm>>
        tpu.wait_dma2 semaphore(%run_scoped3A : memref<!tpu.dma_semaphore, #tpu.memory_space<semaphore_mem>>) src(%arg9 : memref<64x128xf32, #tpu.memory_space<vmem>>) dst(%dma_wait3A_91 : memref<64x128xf32, #tpu.memory_space<hbm>>)
        tpu.yield
      }) : () -> ()
    } else {
    }
    %eq3A = arith.constant 4 : i32
    %eq3A_46 = arith.cmpi eq, %add3A, %eq3A : i32
    %convert_element_type3A_47 = arith.extui %eq3A_46 : i1 to i32
    %cond3A_48 = arith.constant 0 : i32
    %cond3A_49 = arith.cmpi ne, %convert_element_type3A_47, %cond3A_48 : i32
    scf.if %cond3A_49 {
      "tpu.region"() ({
        %run_scoped3A = tpu.sem_alloc : memref<!tpu.dma_semaphore, #tpu.memory_space<semaphore_mem>>
        %dma_start3A_50 = arith.constant 0 : i32
        %dma_start3A_51 = arith.constant 0 : i32
        %dma_start3A_52 = tpu.memref_slice %arg10[%dma_start3A_50, %dma_start3A_51] : memref<64x128xf32, #tpu.memory_space<vmem>> -> memref<32x128xf32, #tpu.memory_space<vmem>>
        %dma_start3A_53 = arith.constant 0 : i32
        %dma_start3A_54 = arith.constant 0 : i32
        %dma_start3A_55 = tpu.memref_slice %arg10[%dma_start3A_53, %dma_start3A_54] : memref<64x128xf32, #tpu.memory_space<vmem>> -> memref<32x128xf32, #tpu.memory_space<vmem>>
        tpu.enqueue_dma source(%arg3 : memref<32x128xf32, #tpu.memory_space<hbm>>) target(%dma_start3A_55 : memref<32x128xf32, #tpu.memory_space<vmem>>) target_semaphore(%run_scoped3A : memref<!tpu.dma_semaphore, #tpu.memory_space<semaphore_mem>>)
        %dma_wait3A_56 = arith.constant 0 : i32
        %dma_wait3A_57 = arith.constant 0 : i32
        %dma_wait3A_58 = tpu.memref_slice %arg10[%dma_wait3A_56, %dma_wait3A_57] : memref<64x128xf32, #tpu.memory_space<vmem>> -> memref<32x128xf32, #tpu.memory_space<vmem>>
        %dma_wait3A_59 = arith.constant 0 : i32
        %dma_wait3A_60 = arith.constant 0 : i32
        %dma_wait3A_61 = tpu.memref_slice %arg10[%dma_wait3A_59, %dma_wait3A_60] : memref<64x128xf32, #tpu.memory_space<vmem>> -> memref<32x128xf32, #tpu.memory_space<vmem>>
        tpu.wait_dma2 semaphore(%run_scoped3A : memref<!tpu.dma_semaphore, #tpu.memory_space<semaphore_mem>>) src(%arg3 : memref<32x128xf32, #tpu.memory_space<hbm>>) dst(%dma_wait3A_61 : memref<32x128xf32, #tpu.memory_space<vmem>>)
        tpu.yield
      }) : () -> ()
      "tpu.region"() ({
        %run_scoped3A = tpu.sem_alloc : memref<!tpu.dma_semaphore, #tpu.memory_space<semaphore_mem>>
        %dma_start3A_50 = arith.constant 0 : i32
        %dma_start3A_51 = arith.constant 0 : i32
        %dma_start3A_52 = tpu.memref_slice %arg10[%dma_start3A_50, %dma_start3A_51] : memref<64x128xf32, #tpu.memory_space<vmem>> -> memref<32x128xf32, #tpu.memory_space<vmem>>
        %dma_start3A_53 = arith.constant 499968 : i32
        %dma_start3A_54 = arith.constant 0 : i32
        %dma_start3A_55 = tpu.memref_slice %arg4[%dma_start3A_53, %dma_start3A_54] : memref<500000x128xf32, #tpu.memory_space<hbm>> -> memref<32x128xf32, #tpu.memory_space<hbm>>
        %dma_start3A_56 = arith.constant 499968 : i32
        %dma_start3A_57 = arith.constant 0 : i32
        %dma_start3A_58 = tpu.memref_slice %arg4[%dma_start3A_56, %dma_start3A_57] : memref<500000x128xf32, #tpu.memory_space<hbm>> -> memref<32x128xf32, #tpu.memory_space<hbm>>
        %dma_start3A_59 = arith.constant 0 : i32
        %dma_start3A_60 = arith.constant 0 : i32
        %dma_start3A_61 = tpu.memref_slice %arg10[%dma_start3A_59, %dma_start3A_60] : memref<64x128xf32, #tpu.memory_space<vmem>> -> memref<32x128xf32, #tpu.memory_space<vmem>>
        tpu.enqueue_dma source(%dma_start3A_61 : memref<32x128xf32, #tpu.memory_space<vmem>>) target(%dma_start3A_58 : memref<32x128xf32, #tpu.memory_space<hbm>>) target_semaphore(%run_scoped3A : memref<!tpu.dma_semaphore, #tpu.memory_space<semaphore_mem>>)
        %dma_wait3A_62 = arith.constant 0 : i32
        %dma_wait3A_63 = arith.constant 0 : i32
        %dma_wait3A_64 = tpu.memref_slice %arg10[%dma_wait3A_62, %dma_wait3A_63] : memref<64x128xf32, #tpu.memory_space<vmem>> -> memref<32x128xf32, #tpu.memory_space<vmem>>
        %dma_wait3A_65 = arith.constant 499968 : i32
        %dma_wait3A_66 = arith.constant 0 : i32
        %dma_wait3A_67 = tpu.memref_slice %arg4[%dma_wait3A_65, %dma_wait3A_66] : memref<500000x128xf32, #tpu.memory_space<hbm>> -> memref<32x128xf32, #tpu.memory_space<hbm>>
        %dma_wait3A_68 = arith.constant 499968 : i32
        %dma_wait3A_69 = arith.constant 0 : i32
        %dma_wait3A_70 = tpu.memref_slice %arg4[%dma_wait3A_68, %dma_wait3A_69] : memref<500000x128xf32, #tpu.memory_space<hbm>> -> memref<32x128xf32, #tpu.memory_space<hbm>>
        %dma_wait3A_71 = arith.constant 0 : i32
        %dma_wait3A_72 = arith.constant 0 : i32
        %dma_wait3A_73 = tpu.memref_slice %arg10[%dma_wait3A_71, %dma_wait3A_72] : memref<64x128xf32, #tpu.memory_space<vmem>> -> memref<32x128xf32, #tpu.memory_space<vmem>>
        tpu.wait_dma2 semaphore(%run_scoped3A : memref<!tpu.dma_semaphore, #tpu.memory_space<semaphore_mem>>) src(%dma_wait3A_73 : memref<32x128xf32, #tpu.memory_space<vmem>>) dst(%dma_wait3A_70 : memref<32x128xf32, #tpu.memory_space<hbm>>)
        tpu.yield
      }) : () -> ()
    } else {
    }
    return
  }
}

</mosaic_0001>

<sc_bundles>
// kernel: _transpose_table.3.cloned.1.call-start
scs
__scs_entry_jumppad:
0x0: {  	(pc) =	sbr.rel $0x88, $3  }
0x1: {  	(tag) =	ssettag $0x0;
	lr =	simm.s32 $0x1  }
0x2: {  	[smem:$0x3F9F] =	sst lr;
	_ =	strace $0xD0000000  }
0x3: {  	_ = 	snop  }
0x4: {  	_ = 	snop  }
0x5: {  	_ = 	snop  }
0x6: {  	_ = 	snop  }
0x7: {  	_ = 	snop  }
__scs_overlays_trampoline_lowered:
0x8: {  	[smem:$0x3FAE] =	sst s0  }
0x9: {  	[smem:$0x3FAF] =	sst s1  }
0xa: {  	[smem:$0x3FB0] =	sst s2  }
0xb: {  	[smem:$0x3FB1] =	sst s3  }
0xc: {  	[smem:$0x3FB2] =	sst s4  }
0xd: {  	[smem:$0x3FB3] =	sst s5  }
0xe: {  	[smem:$0x3FB4] =	sst s6  }
0xf: {  	[smem:$0x3FB5] =	sst s7  }
0x10: {  	[smem:$0x3FB6] =	sst s8  }
0x11: {  	[smem:$0x3FB7] =	sst s9;
	s0 =	simm.s32 @!p0 $0x0  }
0x12: {  	s1 =	sld [smem:$0x3F9D];
	s0 =	simm.s32 @p0 $0x1  }
0x13: {  	[smem:$0x3FB8] =	sst s0;
	s0 =	simm.s32 @!p1 $0x0  }
0x14: {  	s2 =	sld [smem:$0x3F9C];
	s0 =	simm.s32 @p1 $0x1  }
0x15: {  	[smem:$0x3FB9] =	sst s0;
	s0 =	simm.s32 @!p2 $0x0  }
0x16: {  	s3 =	sld [smem:$0x3FDB];
	s0 =	simm.s32 @p2 $0x1  }
0x17: {  	s4 =	simm.s32 $0x1BF5;
	[smem:$0x3FBB] =	sst s0  }
0x18: {  	s0 =	sld [smem:$0x3F9E];
	_ =	swait.ge [sflag:s4], $0x0  }
0x19: {  	s7 =	sld [smem:$0x3F9F]  }
0x1a: {  	s8 =	sadd.s32 $0xFFFFE003, lr  }
0x1b: {  	s9 =	sadd.s32 $0xFFFFFEF7, lr;
	s5 =	simm.s32 $0xFFFFFFFF;
	p2 =	slt.u32 s8, $0xFFFFF086  }
0x1c: {  	p1 =	slt.u32 s9, $0xF7A;
	s5 =	simm.s32 @!p2 $0x0  }
0x1d: {  	s5 =	simm.s32 @p1 $0x1;
	p0 =	seq.s32 s7, s2  }
0x1e: {  	s7 =	smul.u32 @!p0 $0xF7A, s2;
	p2 =	seq.s32 @!p0 s5, $0x0  }
0x1f: {  	s9 =	smul.u32 $0xF7A, s1;
	s8 =	simm.s32 @!p0 $0x1BF5;
	p2 =	por !p2, p0  }
0x20: {  	[sflag:s8] =	ssyncset.s32 @!p0 $0xFFFFF086;
	s6 =	sadd.s32 @!p0 s3, s7;
	s7 =	simm.s32 @!p0 $0x108  }
0x21: {  	s3 =	sadd.s32 s3, s9;
	s6 =	sadd.s32 @!p0 $0x88, s6;
	s7 =	simm.s32 @p2 $0x1082  }
0x22: {  	[simem:s7], [sflag:s8] =	dma.local @!p0 [hbm:s6], $0xF7A  }
0x23: {  	s9 =	sor.u32 $0xD0000000, s2;
	s6 =	simm.s32 $0x108;
	_ =	swait.ge @!p0 [sflag:s8], $0x0  }
0x24: {  	s3 =	sadd.s32 $0x88, s3;
	s6 =	simm.s32 @!p1 $0x1082;
	[sflag:s4] =	ssyncset.s32 $0xFFFFF086  }
0x25: {  	[simem:s6], [sflag:s4] =	dma.local [hbm:s3], $0xF7A  }
0x26: {  	[smem:$0x3F9F] =	sst s1;
	(tag) =	ssettag s2;
	_ =	strace s9  }
0x27: {  	s1 =	sld [smem:$0x3FAF]  }
0x28: {  	s2 =	sld [smem:$0x3FB0]  }
0x29: {  	s4 =	sld [smem:$0x3FB2]  }
0x2a: {  	p0 =	seq.s32 s5, $0x0;
	s5 =	sld [smem:$0x3FB3]  }
0x2b: {  	s6 =	sld [smem:$0x3FB4]  }
0x2c: {  	s7 =	sld [smem:$0x3FB5]  }
0x2d: {  	s3 =	simm.s32 $0x108;
	s8 =	sld [smem:$0x3FB6]  }
0x2e: {  	s3 =	simm.s32 @!p0 $0x1082;
	s9 =	sld [smem:$0x3FB7]  }
0x2f: {  	lr =	sadd.s32 s0, s3;
	s0 =	sld [smem:$0x3FAE]  }
0x30: {  	s3 =	sld [smem:$0x3FB1]  }
0x31: {  	[smem:$0x3FBA] =	sst s10  }
0x32: {  	s10 =	sld [smem:$0x3FB8];
	_ =	sdelay $0x3  }
0x33: {  	p0 =	seq.s32 s10, $0x1;
	s10 =	sld [smem:$0x3FBA];
	_ =	sdelay $0x3  }
0x34: {  	[smem:$0x3FBA] =	sst s10  }
0x35: {  	s10 =	sld [smem:$0x3FB9];
	_ =	sdelay $0x3  }
0x36: {  	p1 =	seq.s32 s10, $0x1;
	s10 =	sld [smem:$0x3FBA];
	_ =	sdelay $0x3  }
0x37: {  	[smem:$0x3FBA] =	sst s10  }
0x38: {  	s10 =	sld [smem:$0x3FBB]  }
0x39: {  	_ = 	snop;
	(pc) =	sbr.ind lr, $3  }
0x3a: {  	_ = 	snop  }
0x3b: {  	_ = 	snop  }
0x3c: {  	p2 =	seq.s32 s10, $0x1;
	s10 =	sld [smem:$0x3FBA]  }
0x3d: {  	_ =	shalt  }
0x3e: {  	_ =	shalt  }
0x3f: {  	_ =	shalt  }
0x40: {  	_ =	shalt  }
0x41: {  	_ =	shalt  }
0x42: {  	_ =	shalt  }
0x43: {  	_ =	shalt  }
0x44: {  	_ =	shalt  }
0x45: {  	_ =	shalt  }
0x46: {  	_ =	shalt  }
0x47: {  	_ =	shalt  }
0x48: {  	_ =	shalt  }
0x49: {  	_ =	shalt  }
0x4a: {  	_ =	shalt  }
0x4b: {  	_ =	shalt  }
0x4c: {  	_ =	shalt  }
0x4d: {  	_ =	shalt  }
0x4e: {  	_ =	shalt  }
0x4f: {  	_ =	shalt  }
0x50: {  	_ =	shalt  }
0x51: {  	_ =	shalt  }
0x52: {  	_ =	shalt  }
0x53: {  	_ =	shalt  }
0x54: {  	_ =	shalt  }
0x55: {  	_ =	shalt  }
0x56: {  	_ =	shalt  }
0x57: {  	_ =	shalt  }
0x58: {  	_ =	shalt  }
0x59: {  	_ =	shalt  }
0x5a: {  	_ =	shalt  }
0x5b: {  	_ =	shalt  }
0x5c: {  	_ =	shalt  }
0x5d: {  	_ =	shalt  }
0x5e: {  	_ =	shalt  }
0x5f: {  	_ =	shalt  }
0x60: {  	_ =	shalt  }
0x61: {  	_ =	shalt  }
0x62: {  	_ =	shalt  }
0x63: {  	_ =	shalt  }
0x64: {  	_ =	shalt  }
0x65: {  	_ =	shalt  }
0x66: {  	_ =	shalt  }
0x67: {  	_ =	shalt  }
0x68: {  	_ =	shalt  }
0x69: {  	_ =	shalt  }
0x6a: {  	_ =	shalt  }
0x6b: {  	_ =	shalt  }
0x6c: {  	_ =	shalt  }
0x6d: {  	_ =	shalt  }
0x6e: {  	_ =	shalt  }
0x6f: {  	_ =	shalt  }
0x70: {  	_ =	shalt  }
0x71: {  	_ =	shalt  }
0x72: {  	_ =	shalt  }
0x73: {  	_ =	shalt  }
0x74: {  	_ =	shalt  }
0x75: {  	_ =	shalt  }
0x76: {  	_ =	shalt  }
0x77: {  	_ =	shalt  }
0x78: {  	_ =	shalt  }
0x79: {  	_ =	shalt  }
0x7a: {  	_ =	shalt  }
0x7b: {  	_ =	shalt  }
0x7c: {  	_ =	shalt  }
0x7d: {  	_ =	shalt  }
0x7e: {  	_ =	shalt  }
0x7f: {  	_ =	shalt  }
0x80: {  	_ =	shalt  }
0x81: {  	_ =	shalt  }
0x82: {  	_ =	shalt  }
0x83: {  	_ =	shalt  }
0x84: {  	_ =	shalt  }
0x85: {  	_ =	shalt  }
0x86: {  	_ =	shalt  }
0x87: {  	_ =	shalt  }
.Lfunc_end0:
.L_simem_size_0:
called_computation_lowered:
.L_overlay_start_0:
0x88: {  	s2 =	sld [smem:$0x3FD9]  }
0x89: {  	s3 =	sld [smem:$0x3FFE];
	_ =	sdelay $0x1  }
0x8a: {  	s1 =	srdreg.scid  }
0x8b: {  	s0 =	sand.u32 $0x1, s1  }
0x8c: {  	s18 =	sshll.u32 s0, $0xA;
	s2 =	sadd.s32 s3, s2  }
0x8d: {  	s2 =	sadd.s32 s2, s18  }
0x8e: {  	[smem:$0x3FC6] =	sst s2  }
0x8f: {  	_ = 	snop  }
0x90: {  	s2 =	sld [smem:$0x3FC9]  }
0x91: {  	s19 =	sld [smem:$0x3FC8]  }
0x92: {  	s4 =	sld [smem:$0x3FD0];
	(tm) =	ssettm $0x1  }
0x93: {  	s5 =	sld [smem:$0x3FFB];
	_ =	sdelay $0x3  }
0x94: {  	_ =	strace s5  }
0x95: {  	s5 =	sld [smem:$0x3FFC];
	_ =	sdelay $0x3  }
0x96: {  	_ =	strace s5  }
0x97: {  	s5 =	sld [smem:$0x3FFD];
	_ =	sdelay $0x3  }
0x98: {  	_ =	strace s5  }
0x99: {  	_ =	strace $0x8FFFFFFF  }
0x9a: {  	s20 =	sld [smem:$0x3FDB];
	_ =	sdelay $0x1  }
0x9b: {  	s6 =	simm.s32 $_scs_section_size  }
0x9c: {  	s7 =	simm.s32 $_size__tile_overlayer_lowered;
	s8 =	simm.s32 $_tile_overlayer_lowered  }
0x9d: {  	s23 =	simm.s32 $0x1BFF;
	s22 =	sshll.u32 s8, $0x1;
	s5 =	sadd.s32 s6, s20  }
0x9e: {  	s9 =	simm.s32 $0x0;
	s21 =	sshll.u32 s7, $0x1;
	s7 =	sadd.s32 s22, s5  }
0x9f: {  	[timem:s9], [sflag:s23] =	dma.local [hbm:s7], s21  }
0xa0: {  	_ =	swait.ge [sflag:s23], s21  }
0xa1: {  	s6 =	ssub.s32 $0x0, s21;
	[sflag:s23] =	ssyncset.done $0x0  }
0xa2: {  	[sflag:s23] =	ssyncadd.s32 s6;
	_ =	sdelay $0x1  }
0xa3: {  	s24 =	simm.s32 $0x1B8B  }
0xa4: {  	_ =	swait.ge [sflag:s24], $0x1  }
0xa5: {  	[sflag:s24] =	ssyncset.done $0x0  }
0xa6: {  	s25 =	simm.s32 $0x1B8E;
	[sflag:s24] =	ssyncadd.s32 $0xFFFFFFFF  }
0xa7: {  	s26 =	simm.s32 $execute0_lowered;
	[smem:$0x3FD2] =	sst s25  }
0xa8: {  	s6 =	sshll.u32 s26, $0x1;
	_ =	strace $0x80000046;
	[dreg:$0x1] =	wrdreg $0xFFFFFFFF  }
0xa9: {  	s28 =	simm.s32 $_size_execute0_lowered;
	s5 =	sadd.s32 s5, s6;
	[dreg:$0x0] =	wrdreg $0x0  }
0xaa: {  	s6 =	sshll.u32 s28, $0x1;
	[dreg:$0x2] =	wrdreg s5  }
0xab: {  	[dreg:$0x3] =	wrdreg s6  }
0xac: {  	[dreg:$0x4] =	wrdreg $0xC0  }
0xad: {  	_ =	task [dreg:s9], $0x5FFFF  }
0xae: {  	[dreg:$0x1] =	wrdreg $0xFFFFFFFF  }
0xaf: {  	[dreg:$0x0] =	wrdreg $0x60  }
0xb0: {  	[dreg:$0x2] =	wrdreg s2  }
0xb1: {  	[dreg:$0x3] =	wrdreg s19  }
0xb2: {  	[dreg:$0x4] =	wrdreg s4  }
0xb3: {  	[dreg:$0x5] =	wrdreg $0x9  }
0xb4: {  	_ =	task.clear_ibuf [dreg:s9], $0x6FFFF;
	_ =	strace $0x90000046  }
0xb5: {  	s29 =	simm.s32 $0x9;
	_ =	strace $0x80000048  }
0xb6: {  	_ =	swait.ge [sflag:s29], $0x1  }
0xb7: {  	[sflag:s29] =	ssyncadd.s32 $0xFFFFFFFF  }
0xb8: {  	_ =	strace $0x90000048  }
0xb9: {  	_ =	sfence  }
0xba: {  	s30 =	sld [smem:$0x0];
	_ =	sdelay $0x2  }
0xbb: {  	s31 =	sshll.u32 s1, $0xD;
	s1 =	sshrl.u32 s1, $0x2  }
0xbc: {  	s3 =	sand.u32 $0x4000, s31;
	s1 =	sadd.s32 s1, s30  }
0xbd: {  	s0 =	sor.u32 s3, s0;
	s1 =	sshll.u32 s1, $0x11  }
0xbe: {  	s0 =	sor.u32 s1, s0  }
0xbf: {  	s0 =	sadd.s32 $0x8F2B, s0  }
0xc0: {  	[sflag:s0] =	ssyncadd.remote.s32 $0x1  }
0xc1: {  	_ =	sfence.sel $0xFFFF  }
0xc2: {  	[dreg:$0x0] =	wrdreg $0xFFFFFFFF;
	(pc) =	sbr.abs _section_cstart, $3  }
0xc3: {  	[dreg:$0x1] =	wrdreg $0xFFFFFFFF  }
0xc4: {  	_ =	task.clear_ibuf [dreg:s9], $0x2FFFF;
	_ =	strace $0x9FFFFFFF  }
0xc5: {  	(tm) =	ssettm $0x7FFFFFFF  }
tec
execute0_lowered:
.L_overlay_start_1:
0x0: {  	(tag) =	ssettag $0x1  }
0x1: {  	s0 =	srdreg.scid;
	s2 =	rddreg [dreg:$0x0]  }
0x2: {  	s14 =	stileid.u32;
	s3 =	rddreg [dreg:$0x2]  }
0x3: {  	s5 =	simm.s32 $0x0;
	s29 =	simm.s32 $0x8000;
	s30 =	simm.s32 $0x8800  }
0x4: {  	s16 =	simm.s32 $0x9800;
	[smem:$0x7FF] =	sst s5;
	s9 =	sadd.s32 $0x100, s2  }
0x5: {  	s17 =	simm.s32 $0xA000;
	_ =	strace $0x80000047;
	[dreg:$0x4] =	wrdreg s9  }
0x6: {  	s18 =	simm.s32 $0xA800;
	s19 =	simm.s32 $0xB000;
	[dreg:$0x9] =	wrdreg s29  }
0x7: {  	s1 =	sand.u32 $0x1, s0;
	s7 =	smul.u32 $0x1E8, s14;
	[dreg:$0xa] =	wrdreg s30  }
0x8: {  	s20 =	sshll.u32 s14, $0x1;
	s11 =	smul.u32 $0xF400, s14;
	[dreg:$0xc] =	wrdreg s16  }
0x9: {  	s10 =	sadd.s32 $0x180, s2;
	s8 =	smul.u32 $0xF4, s1;
	[dreg:$0xd] =	wrdreg s17  }
0xa: {  	s0 =	sor.u32 s1, s20;
	s12 =	smul.u32 $0x7A00, s1;
	[dreg:$0xe] =	wrdreg s18  }
0xb: {  	s13 =	ssub.s32 $0x2, s1;
	s20 =	sadd.s32 $0x7A1000, s3;
	[dreg:$0xf] =	wrdreg s19  }
0xc: {  	s29 =	simm.s32 $0xD800;
	s17 =	simm.s32 $0xF800;
	[dreg:$0x1d] =	wrdreg s20  }
0xd: {  	s19 =	simm.s32 $0x12000;
	s6 =	smul.u32 $0x7A00, s0;
	[dreg:$0x14] =	wrdreg s29  }
0xe: {  	s25 =	sshrl.u32 s13, $0x1;
	s31 =	sor.u32 $0x1E80, s0;
	[dreg:$0x18] =	wrdreg s17  }
0xf: {  	[dreg:$0x19] =	wrdreg s19;
	s1 =	sadd.s32 s8, s7;
	s7 =	sadd.s32 s12, s11  }
0x10: {  	s28 =	ssub.s32 s13, s25;
	s13 =	simm.s32 $0x9000;
	s15 =	sshll.u32 s31, $0x7  }
0x11: {  	s11 =	sshll.u32 s31, $0xA;
	s31 =	simm.s32 $0xE000;
	[dreg:$0xb] =	wrdreg s13  }
0x12: {  	s4 =	smul.u32 $0xF4, s0;
	s12 =	simm.s32 $0xE800;
	[dreg:$0x15] =	wrdreg s31  }
0x13: {  	s21 =	sadd.s32 s6, s10;
	[dreg:$0x16] =	wrdreg s12  }
0x14: {  	s22 =	sor.u32 $0x1, s4;
	[dreg:$0x5] =	wrdreg s21  }
0x15: {  	v0 =	vimm.s32 $0xB80;
	vm14 =	vcmask $0x300;
	s23 =	sadd.s32 s2, s7;
	[dreg:$0x6] =	wrdreg s22  }
0x16: {  	vm11 =	vcmask $0x704;
	vm9 =	vcmask $0xB08;
	vm6 =	vcmask $0xF0C;
	s24 =	sshll.u32 s1, $0x7;
	s11 =	sadd.s32 s3, s11;
	[dreg:$0x7] =	wrdreg s23  }
0x17: {  	vm7 =	vcmask $0x1310;
	vm12 =	vcmask $0x1714;
	vm13 =	vcmask $0x1B18;
	s9 =	sadd.s32 s2, s15;
	s15 =	simm.s32 $0xF000;
	[dreg:$0x1c] =	wrdreg s11  }
0x18: {  	vm10 =	vcmask $0x1F1C;
	vm8 =	vcmask $0x2320;
	vm5 =	vcmask $0x2724;
	s26 =	sadd.s32 s24, s10;
	[dreg:$0x17] =	wrdreg s15  }
0x19: {  	vm4 =	vcmask $0x2B28;
	vm3 =	vcmask $0x2F2C;
	vm2 =	vcmask $0x3330;
	s10 =	smax.u32 s28, $0x1;
	[dreg:$0x8] =	wrdreg s26  }
0x1a: {  	vm1 =	vcmask $0x3734;
	vm0 =	vcmask $0x3B38;
	v1 =	vimm.s32 $0x1B80;
	s8 =	sadd.s32 s2, s6;
	s21 =	simm.s32 $0xB800;
	[dreg:$0x1e] =	wrdreg s10  }
0x1b: {  	v2 =	vimm.s32 $0x2B80;
	v3 =	vimm.s32 $0x3B80;
	v0 =	vsel vm14, $0x0, v0;
	s23 =	sadd.s32 $0xF4280, s8;
	[dreg:$0x10] =	wrdreg s21  }
0x1c: {  	v1 =	vsel vm14, $0x1000, v1;
	v2 =	vsel vm14, $0x2000, v2;
	v3 =	vsel vm14, $0x3000, v3;
	s22 =	simm.s32 $0xC000;
	[dreg:$0x1f] =	wrdreg s23  }
0x1d: {  	v0 =	vsel vm11, $0x80, v0;
	v1 =	vsel vm11, $0x1080, v1;
	v2 =	vsel vm11, $0x2080, v2;
	s25 =	sadd.s32 $0x1E8500, s8;
	[dreg:$0x11] =	wrdreg s22  }
0x1e: {  	v3 =	vsel vm11, $0x3080, v3;
	v0 =	vsel vm9, $0x100, v0;
	v1 =	vsel vm9, $0x1100, v1;
	s24 =	simm.s32 $0xC800;
	[smem:$0x7F0] =	sst s25  }
0x1f: {  	v2 =	vsel vm9, $0x2100, v2;
	v3 =	vsel vm9, $0x3100, v3;
	s28 =	sadd.s32 $0x2DC780, s8;
	s30 =	sadd.s32 $0x3D0A00, s8;
	[dreg:$0x12] =	wrdreg s24  }
0x20: {  	p1 =	sgt.u32 s14, $0x1;
	v0 =	vsel vm6, $0x180, v0;
	v1 =	vsel vm6, $0x1180, v1;
	v2 =	vsel vm6, $0x2180, v2;
	s11 =	sadd.s32 $0x4C4C80, s8;
	[smem:$0x7F1] =	sst s28  }
0x21: {  	s14 =	simm.s32 $0x7;
	v3 =	vsel vm6, $0x3180, v3;
	v0 =	vsel vm7, $0x200, v0;
	v1 =	vsel vm7, $0x1200, v1;
	s13 =	sadd.s32 $0x5B8F00, s8;
	[smem:$0x7F2] =	sst s30  }
0x22: {  	p0 =	sne.s32 s0, $0x4;
	v2 =	vsel vm7, $0x2200, v2;
	v3 =	vsel vm7, $0x3200, v3;
	v0 =	vsel vm12, $0x280, v0;
	s16 =	sadd.s32 $0x6AD180, s8;
	[smem:$0x7F3] =	sst s11  }
0x23: {  	s0 =	simm.s32 $0x2;
	s18 =	sadd.s32 $0xF4300, s8;
	v1 =	vsel vm12, $0x1280, v1;
	v2 =	vsel vm12, $0x2280, v2;
	v3 =	vsel vm12, $0x3280, v3;
	[smem:$0x7F4] =	sst s13  }
0x24: {  	s2 =	simm.s32 $0x5;
	s20 =	sadd.s32 $0x1E8580, s8;
	v0 =	vsel vm13, $0x300, v0;
	[smem:$0x7F5] =	sst s16;
	v1 =	vsel vm13, $0x1300, v1;
	v2 =	vsel vm13, $0x2300, v2  }
0x25: {  	s12 =	simm.s32 $0x6;
	s29 =	sadd.s32 $0x4C4D00, s8;
	[smem:$0x7F6] =	sst s18;
	v3 =	vsel vm13, $0x3300, v3;
	v0 =	vsel vm10, $0x380, v0;
	v1 =	vsel vm10, $0x1380, v1  }
0x26: {  	s31 =	sadd.s32 $0x6AD200, s8;
	s15 =	simm.s32 $0x8;
	[smem:$0x7F7] =	sst s20;
	v2 =	vsel vm10, $0x2380, v2;
	v3 =	vsel vm10, $0x3380, v3;
	v0 =	vsel vm8, $0x800, v0  }
0x27: {  	s26 =	simm.s32 $0xD000;
	s21 =	simm.s32 $0x14000;
	[smem:$0x7FB] =	sst s29;
	v1 =	vsel vm8, $0x1800, v1;
	v2 =	vsel vm8, $0x2800, v2;
	v3 =	vsel vm8, $0x3800, v3  }
0x28: {  	s22 =	sshll.u32 s1, $0xA;
	s23 =	simm.s32 $0x16000;
	[smem:$0x7FD] =	sst s31;
	v0 =	vsel vm5, $0x880, v0;
	v1 =	vsel vm5, $0x1880, v1;
	v2 =	vsel vm5, $0x2880, v2  }
0x29: {  	s24 =	sadd.s32 $0x2DC800, s8;
	s28 =	sadd.s32 $0x80, s8;
	[dreg:$0x13] =	wrdreg s26;
	v3 =	vsel vm5, $0x3880, v3;
	v0 =	vsel vm4, $0x900, v0;
	v1 =	vsel vm4, $0x1900, v1  }
0x2a: {  	s30 =	sadd.s32 $0x5B8F80, s8;
	s10 =	simm.s32 $0x1;
	[dreg:$0x1a] =	wrdreg s21;
	v2 =	vsel vm4, $0x2900, v2;
	v3 =	vsel vm4, $0x3900, v3;
	v0 =	vsel vm3, $0x980, v0  }
.Ltmp0:
0x2b: {  	s11 =	simm.s32 $0x3;
	[dreg:$0x1b] =	wrdreg s23;
	v1 =	vsel vm3, $0x1980, v1;
	v2 =	vsel vm3, $0x2980, v2;
	v3 =	vsel vm3, $0x3980, v3;
	(pc) =	sbr.rel .LBB2_1-.Ltmp0, $4  }
0x2c: {  	s13 =	simm.s32 $0x4;
	s16 =	simm.s32 $0x0;
	[smem:$0x7F8] =	sst s24;
	v0 =	vsel vm2, $0xA00, v0;
	v1 =	vsel vm2, $0x1A00, v1;
	v2 =	vsel vm2, $0x2A00, v2  }
0x2d: {  	s25 =	sadd.s32 s22, s3;
	s26 =	sadd.s32 $0x3D0A80, s8;
	[smem:$0x7FA] =	sst s28;
	v3 =	vsel vm2, $0x3A00, v3;
	v0 =	vsel vm1, $0xA80, v0;
	v1 =	vsel vm1, $0x1A80, v1  }
0x2e: {  	[smem:$0x7FC] =	sst s30;
	s22 =	sadd.s32 $0xC00, s25;
	s24 =	sadd.s32 $0x800, s25;
	v2 =	vsel vm1, $0x2A80, v2;
	v3 =	vsel vm1, $0x3A80, v3;
	v0 =	vsel vm0, $0xB00, v0  }
0x2f: {  	s25 =	sor.u32 $0x1, s1;
	[smem:$0x7F9] =	sst s26;
	s1 =	simm.s32 $0x10000;
	v1 =	vsel vm0, $0x1B00, v1;
	v2 =	vsel vm0, $0x2B00, v2;
	v3 =	vsel vm0, $0x3B00, v3  }
.LBB2_6:
0x30: {  	_ =	sdelay $0x2  }
0x31: {  	[tilespmem:s17+$0x30] =	vst v4  }
0x32: {  	v4 =	vld.idx.msk [tilespmem:v5+s5+$0x0], $0xffff  }
0x33: {  	v5 =	vor.u32 s18, v1;
	_ =	sdelay $0x2  }
0x34: {  	s28 =	sadd.s32 $0x80, s17  }
0x35: {  	[tilespmem:s28+$0xFFFFFFC0] =	vst v4  }
0x36: {  	v4 =	vld.idx.msk [tilespmem:v5+s5+$0x0], $0xffff  }
0x37: {  	v5 =	vor.u32 s18, v2;
	_ =	sdelay $0x3  }
0x38: {  	[tilespmem:s28+$0xFFFFFFD0] =	vst v4  }
0x39: {  	v4 =	vld.idx.msk [tilespmem:v5+s5+$0x0], $0xffff  }
0x3a: {  	v5 =	vor.u32 s18, v3;
	_ =	sdelay $0x3  }
0x3b: {  	[tilespmem:s28+$0xFFFFFFE0] =	vst v4  }
0x3c: {  	s29 =	sadd.s32 $0x1, s18;
	v4 =	vld.idx.msk [tilespmem:v5+s5+$0x0], $0xffff  }
0x3d: {  	v5 =	vor.u32 s29, v0;
	_ =	sdelay $0x3  }
0x3e: {  	[tilespmem:s28+$0xFFFFFFF0] =	vst v4  }
0x3f: {  	v4 =	vld.idx.msk [tilespmem:v5+s5+$0x0], $0xffff  }
0x40: {  	v5 =	vor.u32 s29, v1;
	_ =	sdelay $0x3  }
0x41: {  	[tilespmem:s28+$0x0] =	vst v4  }
0x42: {  	v4 =	vld.idx.msk [tilespmem:v5+s5+$0x0], $0xffff  }
0x43: {  	v5 =	vor.u32 s29, v2;
	_ =	sdelay $0x3  }
0x44: {  	[tilespmem:s28+$0x10] =	vst v4  }
0x45: {  	v4 =	vld.idx.msk [tilespmem:v5+s5+$0x0], $0xffff  }
0x46: {  	v5 =	vor.u32 s29, v3;
	_ =	sdelay $0x3  }
0x47: {  	[tilespmem:s28+$0x20] =	vst v4  }
0x48: {  	v4 =	vld.idx.msk [tilespmem:v5+s5+$0x0], $0xffff;
	_ =	sdelay $0x4  }
0x49: {  	s30 =	rddreg [dreg:$0x1c];
	s31 =	simm.s32 $0x9;
	[tilespmem:s28+$0x30] =	vst v4  }
0x4a: {  	[hbm4b:s30+s5] =	stream.linear.scatter [tilespmem:s1], [sflag:$0x9], $0x2000, $0x38;
	[tilespmem:$0x18000] =	vst v63  }
0x4b: {  	_ =	swait.ge [sflag:s31], $0x2000  }
0x4c: {  	[sflag:s31] =	ssyncset.done $0x0  }
0x4d: {  	[sflag:s31] =	ssyncadd.s32 $0xFFFFE000  }
.LBB2_7:
0x4e: {  	s17 =	simm.s32 @!p0 $0x0;
	s18 =	simm.s32 @!p0 $0x12000;
	s19 =	rddreg [dreg:$0x1]  }
0x4f: {  	[tilespmem:s18], [sflag:$0x9] =	stream.linear.gather @!p0 [hbm4b:s19+s17], $0x1000, $0x38;
	[tilespmem:$0x18000] =	vst v63  }
0x50: {  	s19 =	simm.s32 @!p0 $0x9  }
0x51: {  	_ =	swait.ge @!p0 [sflag:s19], $0x1000  }
0x52: {  	[sflag:s19] =	ssyncset.done @!p0 $0x0  }
0x53: {  	s20 =	rddreg [dreg:$0x1d];
	[sflag:s19] =	ssyncadd.s32 @!p0 $0xFFFFF000  }
0x54: {  	[hbm4b:s20+s17] =	stream.linear.scatter @!p0 [tilespmem:s18], [sflag:$0x9], $0x1000, $0x38;
	[tilespmem:$0x18000] =	vst v63  }
0x55: {  	_ =	swait.ge @!p0 [sflag:s19], $0x1000  }
0x56: {  	s16 =	sadd.s32 $0x1, s16;
	s31 =	rddreg [dreg:$0x1e]  }
0x57: {  	p2 =	sne.s32 s16, s31  }
.Ltmp1:
0x58: {  	_ = 	snop;
	(pc) =	sbr.rel @!p2 .LBB2_8-.Ltmp1, $3  }
0x59: {  	_ =	sdelay $0x1  }
0x5a: {  	[sflag:s19] =	ssyncset.done @!p0 $0x0  }
0x5b: {  	[sflag:s19] =	ssyncadd.s32 @!p0 $0xFFFFF000  }
.LBB2_1:
0x5c: {  	[tilespmem:s5], [sflag:$0x1] =	stream.linear.gather [hbm4b:s8+s5], $0x400, $0x38;
	[tilespmem:$0x18000] =	vst v63  }
0x5d: {  	s17 =	rddreg [dreg:$0x1f]  }
0x5e: {  	s18 =	simm.s32 $0x800;
	s21 =	sld [smem:$0x7F0]  }
0x5f: {  	[tilespmem:s18], [sflag:$0x1] =	stream.linear.gather [hbm4b:s17+s5], $0x400, $0x38;
	[tilespmem:$0x18000] =	vst v63  }
0x60: {  	s23 =	simm.s32 $0x1000;
	s26 =	sld [smem:$0x7F1]  }
0x61: {  	[tilespmem:s23], [sflag:$0x1] =	stream.linear.gather [hbm4b:s21+s5], $0x400, $0x38;
	[tilespmem:$0x18000] =	vst v63  }
0x62: {  	s29 =	simm.s32 $0x1800;
	s30 =	sld [smem:$0x7F2]  }
0x63: {  	[tilespmem:s29], [sflag:$0x1] =	stream.linear.gather [hbm4b:s26+s5], $0x400, $0x38;
	[tilespmem:$0x18000] =	vst v63  }
0x64: {  	s31 =	simm.s32 $0x2000;
	s19 =	sld [smem:$0x7F3]  }
0x65: {  	[tilespmem:s31], [sflag:$0x1] =	stream.linear.gather [hbm4b:s30+s5], $0x400, $0x38;
	[tilespmem:$0x18000] =	vst v63  }
0x66: {  	s20 =	simm.s32 $0x2800;
	s21 =	sld [smem:$0x7F4]  }
0x67: {  	[tilespmem:s20], [sflag:$0x1] =	stream.linear.gather [hbm4b:s19+s5], $0x400, $0x38;
	[tilespmem:$0x18000] =	vst v63  }
0x68: {  	s23 =	simm.s32 $0x3000;
	s26 =	sld [smem:$0x7F5]  }
0x69: {  	[tilespmem:s23], [sflag:$0x1] =	stream.linear.gather [hbm4b:s21+s5], $0x400, $0x38;
	[tilespmem:$0x18000] =	vst v63  }
0x6a: {  	s29 =	simm.s32 $0x3800;
	s30 =	sld [smem:$0x7FA]  }
0x6b: {  	[tilespmem:s29], [sflag:$0x1] =	stream.linear.gather [hbm4b:s26+s5], $0x400, $0x38;
	[tilespmem:$0x18000] =	vst v63  }
0x6c: {  	s31 =	simm.s32 $0x4000;
	s19 =	sld [smem:$0x7F6]  }
0x6d: {  	[tilespmem:s31], [sflag:$0x2] =	stream.linear.gather [hbm4b:s30+s5], $0x400, $0x38;
	[tilespmem:$0x18000] =	vst v63  }
0x6e: {  	s20 =	simm.s32 $0x4800;
	s21 =	sld [smem:$0x7F7]  }
0x6f: {  	[tilespmem:s20], [sflag:$0x2] =	stream.linear.gather [hbm4b:s19+s5], $0x400, $0x38;
	[tilespmem:$0x18000] =	vst v63  }
0x70: {  	s23 =	simm.s32 $0x5000;
	s26 =	sld [smem:$0x7F8]  }
0x71: {  	[tilespmem:s23], [sflag:$0x2] =	stream.linear.gather [hbm4b:s21+s5], $0x400, $0x38;
	[tilespmem:$0x18000] =	vst v63  }
0x72: {  	s29 =	simm.s32 $0x5800;
	s30 =	sld [smem:$0x7F9]  }
0x73: {  	[tilespmem:s29], [sflag:$0x2] =	stream.linear.gather [hbm4b:s26+s5], $0x400, $0x38;
	[tilespmem:$0x18000] =	vst v63  }
0x74: {  	s18 =	sld [smem:$0x7FB];
	s31 =	simm.s32 $0x6000  }
0x75: {  	[tilespmem:s31], [sflag:$0x2] =	stream.linear.gather [hbm4b:s30+s5], $0x400, $0x38;
	[tilespmem:$0x18000] =	vst v63  }
0x76: {  	s19 =	simm.s32 $0x6800;
	s20 =	sld [smem:$0x7FC]  }
0x77: {  	[tilespmem:s19], [sflag:$0x2] =	stream.linear.gather [hbm4b:s18+s5], $0x400, $0x38;
	[tilespmem:$0x18000] =	vst v63  }
0x78: {  	p2 =	por $0x1, $0x1;
	s21 =	simm.s32 $0x7000;
	s23 =	sld [smem:$0x7FD]  }
0x79: {  	[tilespmem:s21], [sflag:$0x2] =	stream.linear.gather [hbm4b:s20+s5], $0x400, $0x38;
	[tilespmem:$0x18000] =	vst v63  }
0x7a: {  	s17 =	simm.s32 @!p2 $0x7;
	s26 =	simm.s32 $0x7800  }
0x7b: {  	[tilespmem:s26], [sflag:$0x2] =	stream.linear.gather [hbm4b:s23+s5], $0x400, $0x38;
	[tilespmem:$0x18000] =	vst v63  }
0x7c: {  	s19 =	sadd.s32 @!p2 $0x0, s7;
	_ =	swait.ge @!p2 [sflag:s17], $0x2000  }
0x7d: {  	s19 =	smov.u32 @p2 s6;
	s29 =	rddreg [dreg:$0x4];
	[sflag:s17] =	ssyncset.done @!p2 $0x0  }
0x7e: {  	s20 =	rddreg [dreg:$0x9];
	[sflag:s17] =	ssyncadd.s32 @!p2 $0xFFFFE000;
	s17 =	sadd.s32 s19, s29  }
0x7f: {  	[tilespmem:s20], [sflag:$0x3] =	stream.linear.gather [hbm4b:s17+s5], $0x400, $0x38;
	[tilespmem:$0x18000] =	vst v63  }
0x80: {  	s30 =	rddreg [dreg:$0xa];
	s19 =	sadd.s32 $0xF4280, s17  }
0x81: {  	[tilespmem:s30], [sflag:$0x3] =	stream.linear.gather [hbm4b:s19+s5], $0x400, $0x38;
	[tilespmem:$0x18000] =	vst v63  }
0x82: {  	s31 =	rddreg [dreg:$0xb];
	s21 =	sadd.s32 $0x1E8500, s17  }
0x83: {  	[tilespmem:s31], [sflag:$0x3] =	stream.linear.gather [hbm4b:s21+s5], $0x400, $0x38;
	[tilespmem:$0x18000] =	vst v63  }
0x84: {  	s23 =	rddreg [dreg:$0xc];
	s26 =	sadd.s32 $0x2DC780, s17  }
0x85: {  	[tilespmem:s23], [sflag:$0x3] =	stream.linear.gather [hbm4b:s26+s5], $0x400, $0x38;
	[tilespmem:$0x18000] =	vst v63  }
0x86: {  	s29 =	rddreg [dreg:$0xd];
	s30 =	sadd.s32 $0x3D0A00, s17  }
0x87: {  	[tilespmem:s29], [sflag:$0x3] =	stream.linear.gather [hbm4b:s30+s5], $0x400, $0x38;
	[tilespmem:$0x18000] =	vst v63  }
0x88: {  	s20 =	sadd.s32 $0x4C4C80, s17;
	s31 =	rddreg [dreg:$0xe]  }
0x89: {  	[tilespmem:s31], [sflag:$0x3] =	stream.linear.gather [hbm4b:s20+s5], $0x400, $0x38;
	[tilespmem:$0x18000] =	vst v63  }
0x8a: {  	s21 =	rddreg [dreg:$0xf];
	s23 =	sadd.s32 $0x5B8F00, s17  }
0x8b: {  	[tilespmem:s21], [sflag:$0x3] =	stream.linear.gather [hbm4b:s23+s5], $0x400, $0x38;
	[tilespmem:$0x18000] =	vst v63  }
0x8c: {  	s26 =	rddreg [dreg:$0x10];
	s17 =	sadd.s32 $0x6AD180, s17  }
0x8d: {  	[tilespmem:s26], [sflag:$0x3] =	stream.linear.gather [hbm4b:s17+s5], $0x400, $0x38;
	[tilespmem:$0x18000] =	vst v63  }
0x8e: {  	_ =	swait.ge [sflag:s10], $0x2000  }
0x8f: {  	s17 =	sadd.s32 @!p2 $0xFFFFFFFF, s25;
	[sflag:s10] =	ssyncset.done $0x0  }
0x90: {  	s17 =	smov.u32 @p2 s4;
	[sflag:s10] =	ssyncadd.s32 $0xFFFFE000  }
0x91: {  	s17 =	sshll.u32 s17, $0xA;
	[bflag:$0x0] =	sbarrier.arrive $0xFFFF  }
0x92: {  	s18 =	simm.s32 @!p2 $0x8;
	s17 =	sadd.s32 s3, s17;
	[bflag:$0x0] =	sbarrier.arrive $0xFFFF  }
0x93: {  	[hbm4b:s17+s5] =	stream.linear.scatter [tilespmem:s1], [sflag:$0x5], $0x2000, $0x38;
	[tilespmem:$0x18000] =	vst v63  }
0x94: {  	_ =	swait.ge @!p2 [sflag:s18], $0x2000  }
0x95: {  	s17 =	rddreg [dreg:$0x8]  }
0x96: {  	s19 =	rddreg [dreg:$0x5];
	[sflag:s18] =	ssyncset.done @!p2 $0x0;
	s17 =	sadd.s32 @!p2 $0x0, s17  }
0x97: {  	s29 =	rddreg [dreg:$0x11];
	[sflag:s18] =	ssyncadd.s32 @!p2 $0xFFFFE000;
	s17 =	smov.u32 @p2 s19  }
0x98: {  	[tilespmem:s29], [sflag:$0x4] =	stream.linear.gather [hbm4b:s17+s5], $0x400, $0x38;
	[tilespmem:$0x18000] =	vst v63  }
0x99: {  	s30 =	rddreg [dreg:$0x12];
	s19 =	sadd.s32 $0xF4280, s17  }
0x9a: {  	[tilespmem:s30], [sflag:$0x4] =	stream.linear.gather [hbm4b:s19+s5], $0x400, $0x38;
	[tilespmem:$0x18000] =	vst v63  }
0x9b: {  	s31 =	rddreg [dreg:$0x13];
	s21 =	sadd.s32 $0x1E8500, s17  }
0x9c: {  	[tilespmem:s31], [sflag:$0x4] =	stream.linear.gather [hbm4b:s21+s5], $0x400, $0x38;
	[tilespmem:$0x18000] =	vst v63  }
0x9d: {  	s23 =	rddreg [dreg:$0x14];
	s26 =	sadd.s32 $0x2DC780, s17  }
0x9e: {  	[tilespmem:s23], [sflag:$0x4] =	stream.linear.gather [hbm4b:s26+s5], $0x400, $0x38;
	[tilespmem:$0x18000] =	vst v63  }
0x9f: {  	s29 =	rddreg [dreg:$0x15];
	s30 =	sadd.s32 $0x3D0A00, s17  }
0xa0: {  	[tilespmem:s29], [sflag:$0x4] =	stream.linear.gather [hbm4b:s30+s5], $0x400, $0x38;
	[tilespmem:$0x18000] =	vst v63  }
0xa1: {  	s31 =	rddreg [dreg:$0x16];
	s21 =	sadd.s32 $0x4C4C80, s17  }
0xa2: {  	[tilespmem:s31], [sflag:$0x4] =	stream.linear.gather [hbm4b:s21+s5], $0x400, $0x38;
	[tilespmem:$0x18000] =	vst v63  }
0xa3: {  	s23 =	rddreg [dreg:$0x17];
	s26 =	sadd.s32 $0x5B8F00, s17  }
0xa4: {  	[tilespmem:s23], [sflag:$0x4] =	stream.linear.gather [hbm4b:s26+s5], $0x400, $0x38;
	[tilespmem:$0x18000] =	vst v63  }
0xa5: {  	s17 =	sadd.s32 $0x6AD180, s17;
	s29 =	rddreg [dreg:$0x18]  }
0xa6: {  	[tilespmem:s29], [sflag:$0x4] =	stream.linear.gather [hbm4b:s17+s5], $0x400, $0x38;
	[tilespmem:$0x18000] =	vst v63  }
0xa7: {  	s18 =	rddreg [dreg:$0x6];
	_ =	swait.ge [sflag:s0], $0x2000  }
0xa8: {  	s17 =	smov.u32 s25;
	[sflag:s0] =	ssyncset.done $0x0  }
0xa9: {  	s17 =	smov.u32 @p2 s18;
	[sflag:s0] =	ssyncadd.s32 $0xFFFFE000  }
0xaa: {  	s17 =	sshll.u32 s17, $0xA;
	[bflag:$0x0] =	sbarrier.arrive $0xFFFF  }
0xab: {  	s17 =	sand.u32 $0x1FFFF400, s17;
	[bflag:$0x0] =	sbarrier.arrive $0xFFFF  }
0xac: {  	s17 =	sadd.s32 s3, s17;
	s30 =	rddreg [dreg:$0x19]  }
0xad: {  	[hbm4b:s17+s5] =	stream.linear.scatter [tilespmem:s30], [sflag:$0x6], $0x2000, $0x38;
	[tilespmem:$0x18000] =	vst v63  }
0xae: {  	_ =	swait.ge [sflag:s2], $0x2000  }
0xaf: {  	p2 =	por $0x0, $0x0;
	s17 =	rddreg [dreg:$0x7]  }
0xb0: {  	[sflag:s2] =	ssyncset.done $0x0;
	s17 =	sadd.s32 @!p2 $0x0, s17  }
0xb1: {  	s19 =	simm.s32 @!p2 $0x0;
	[sflag:s2] =	ssyncadd.s32 $0xFFFFE000;
	s18 =	sadd.s32 @!p2 $0x200, s17  }
0xb2: {  	[tilespmem:s19], [sflag:$0x1] =	stream.linear.gather @!p2 [hbm4b:s18+s19], $0x400, $0x38;
	[tilespmem:$0x18000] =	vst v63  }
0xb3: {  	s20 =	simm.s32 @!p2 $0x800;
	s18 =	sadd.s32 @!p2 $0xF4480, s17  }
0xb4: {  	[tilespmem:s20], [sflag:$0x1] =	stream.linear.gather @!p2 [hbm4b:s18+s19], $0x400, $0x38;
	[tilespmem:$0x18000] =	vst v63  }
0xb5: {  	s18 =	sadd.s32 @!p2 $0x1E8700, s17;
	s20 =	simm.s32 @!p2 $0x1000  }
0xb6: {  	[tilespmem:s20], [sflag:$0x1] =	stream.linear.gather @!p2 [hbm4b:s18+s19], $0x400, $0x38;
	[tilespmem:$0x18000] =	vst v63  }
0xb7: {  	s18 =	sadd.s32 @!p2 $0x2DC980, s17;
	s20 =	simm.s32 @!p2 $0x1800  }
0xb8: {  	[tilespmem:s20], [sflag:$0x1] =	stream.linear.gather @!p2 [hbm4b:s18+s19], $0x400, $0x38;
	[tilespmem:$0x18000] =	vst v63  }
0xb9: {  	s18 =	sadd.s32 @!p2 $0x3D0C00, s17;
	s20 =	simm.s32 @!p2 $0x2000  }
0xba: {  	[tilespmem:s20], [sflag:$0x1] =	stream.linear.gather @!p2 [hbm4b:s18+s19], $0x400, $0x38;
	[tilespmem:$0x18000] =	vst v63  }
0xbb: {  	s18 =	sadd.s32 @!p2 $0x4C4E80, s17;
	s20 =	simm.s32 @!p2 $0x2800  }
0xbc: {  	[tilespmem:s20], [sflag:$0x1] =	stream.linear.gather @!p2 [hbm4b:s18+s19], $0x400, $0x38;
	[tilespmem:$0x18000] =	vst v63  }
0xbd: {  	s18 =	sadd.s32 @!p2 $0x5B9100, s17;
	s20 =	simm.s32 @!p2 $0x3000  }
0xbe: {  	[tilespmem:s20], [sflag:$0x1] =	stream.linear.gather @!p2 [hbm4b:s18+s19], $0x400, $0x38;
	[tilespmem:$0x18000] =	vst v63  }
0xbf: {  	s18 =	sadd.s32 @!p2 $0x6AD380, s17;
	s20 =	simm.s32 @!p2 $0x3800  }
0xc0: {  	[tilespmem:s20], [sflag:$0x1] =	stream.linear.gather @!p2 [hbm4b:s18+s19], $0x400, $0x38;
	[tilespmem:$0x18000] =	vst v63  }
0xc1: {  	_ =	swait.ge [sflag:s11], $0x2000  }
0xc2: {  	[sflag:s11] =	ssyncset.done $0x0  }
0xc3: {  	[sflag:s11] =	ssyncadd.s32 $0xFFFFE000  }
0xc4: {  	[bflag:$0x0] =	sbarrier.arrive $0xFFFF  }
0xc5: {  	[bflag:$0x0] =	sbarrier.arrive $0xFFFF  }
0xc6: {  	s31 =	rddreg [dreg:$0x1a]  }
0xc7: {  	[hbm4b:s24+s5] =	stream.linear.scatter [tilespmem:s31], [sflag:$0x7], $0x2000, $0x38;
	[tilespmem:$0x18000] =	vst v63  }
0xc8: {  	_ =	swait.ge [sflag:s12], $0x2000  }
0xc9: {  	[sflag:s12] =	ssyncset.done $0x0  }
0xca: {  	s18 =	sadd.s32 @!p2 $0x280, s17;
	s20 =	simm.s32 @!p2 $0x4000;
	[sflag:s12] =	ssyncadd.s32 $0xFFFFE000  }
0xcb: {  	[tilespmem:s20], [sflag:$0x2] =	stream.linear.gather @!p2 [hbm4b:s18+s19], $0x400, $0x38;
	[tilespmem:$0x18000] =	vst v63  }
0xcc: {  	s18 =	sadd.s32 @!p2 $0xF4500, s17;
	s20 =	simm.s32 @!p2 $0x4800  }
0xcd: {  	[tilespmem:s20], [sflag:$0x2] =	stream.linear.gather @!p2 [hbm4b:s18+s19], $0x400, $0x38;
	[tilespmem:$0x18000] =	vst v63  }
0xce: {  	s18 =	sadd.s32 @!p2 $0x1E8780, s17;
	s20 =	simm.s32 @!p2 $0x5000  }
0xcf: {  	[tilespmem:s20], [sflag:$0x2] =	stream.linear.gather @!p2 [hbm4b:s18+s19], $0x400, $0x38;
	[tilespmem:$0x18000] =	vst v63  }
0xd0: {  	s18 =	sadd.s32 @!p2 $0x2DCA00, s17;
	s20 =	simm.s32 @!p2 $0x5800  }
0xd1: {  	[tilespmem:s20], [sflag:$0x2] =	stream.linear.gather @!p2 [hbm4b:s18+s19], $0x400, $0x38;
	[tilespmem:$0x18000] =	vst v63  }
0xd2: {  	s18 =	sadd.s32 @!p2 $0x3D0C80, s17;
	s20 =	simm.s32 @!p2 $0x6000  }
0xd3: {  	[tilespmem:s20], [sflag:$0x2] =	stream.linear.gather @!p2 [hbm4b:s18+s19], $0x400, $0x38;
	[tilespmem:$0x18000] =	vst v63  }
0xd4: {  	s18 =	sadd.s32 @!p2 $0x4C4F00, s17;
	s20 =	simm.s32 @!p2 $0x6800  }
0xd5: {  	[tilespmem:s20], [sflag:$0x2] =	stream.linear.gather @!p2 [hbm4b:s18+s19], $0x400, $0x38;
	[tilespmem:$0x18000] =	vst v63  }
0xd6: {  	s18 =	sadd.s32 @!p2 $0x5B9180, s17;
	s20 =	simm.s32 @!p2 $0x7000  }
0xd7: {  	[tilespmem:s20], [sflag:$0x2] =	stream.linear.gather @!p2 [hbm4b:s18+s19], $0x400, $0x38;
	[tilespmem:$0x18000] =	vst v63  }
0xd8: {  	s17 =	sadd.s32 @!p2 $0x6AD400, s17;
	s18 =	simm.s32 @!p2 $0x7800  }
0xd9: {  	[tilespmem:s18], [sflag:$0x2] =	stream.linear.gather @!p2 [hbm4b:s17+s19], $0x400, $0x38;
	[tilespmem:$0x18000] =	vst v63  }
0xda: {  	_ =	swait.ge [sflag:s13], $0x2000  }
0xdb: {  	[sflag:s13] =	ssyncset.done $0x0  }
0xdc: {  	p3 =	por $0x0, $0x0;
	[sflag:s13] =	ssyncadd.s32 $0xFFFFE000  }
0xdd: {  	s21 =	simm.s32 $0x400;
	s23 =	smov.u32 s22;
	[bflag:$0x0] =	sbarrier.arrive $0xFFFF  }
0xde: {  	s20 =	sadd.s32 $0x4, s25;
	s19 =	simm.s32 $0x200;
	[bflag:$0x0] =	sbarrier.arrive $0xFFFF  }
0xdf: {  	s18 =	sadd.s32 $0x1000, s24;
	s17 =	smov.u32 s22;
	s28 =	rddreg [dreg:$0x1b]  }
.LBB2_2:
0xe0: {  	s29 =	simm.s32 @!p3 $0x7  }
0xe1: {  	[hbm4b:s17+s5] =	stream.linear.scatter [tilespmem:s28], [sflag:$0x8], $0x2000, $0x38;
	[tilespmem:$0x18000] =	vst v63  }
0xe2: {  	s30 =	sadd.s32 @!p3 s19, s7;
	_ =	swait.ge @!p3 [sflag:s29], $0x2000  }
0xe3: {  	s30 =	smov.u32 @p3 s6;
	s28 =	rddreg [dreg:$0x4];
	[sflag:s29] =	ssyncset.done @!p3 $0x0  }
0xe4: {  	s31 =	rddreg [dreg:$0x9];
	[sflag:s29] =	ssyncadd.s32 @!p3 $0xFFFFE000;
	s28 =	sadd.s32 s30, s28  }
0xe5: {  	[tilespmem:s31], [sflag:$0x3] =	stream.linear.gather [hbm4b:s28+s5], $0x400, $0x38;
	[tilespmem:$0x18000] =	vst v63  }
0xe6: {  	s29 =	rddreg [dreg:$0xa];
	s30 =	sadd.s32 $0xF4280, s28  }
0xe7: {  	[tilespmem:s29], [sflag:$0x3] =	stream.linear.gather [hbm4b:s30+s5], $0x400, $0x38;
	[tilespmem:$0x18000] =	vst v63  }
0xe8: {  	s31 =	rddreg [dreg:$0xb];
	s29 =	sadd.s32 $0x1E8500, s28  }
0xe9: {  	[tilespmem:s31], [sflag:$0x3] =	stream.linear.gather [hbm4b:s29+s5], $0x400, $0x38;
	[tilespmem:$0x18000] =	vst v63  }
0xea: {  	s30 =	rddreg [dreg:$0xc];
	s29 =	sadd.s32 $0x2DC780, s28  }
0xeb: {  	[tilespmem:s30], [sflag:$0x3] =	stream.linear.gather [hbm4b:s29+s5], $0x400, $0x38;
	[tilespmem:$0x18000] =	vst v63  }
0xec: {  	s31 =	rddreg [dreg:$0xd];
	s29 =	sadd.s32 $0x3D0A00, s28  }
0xed: {  	[tilespmem:s31], [sflag:$0x3] =	stream.linear.gather [hbm4b:s29+s5], $0x400, $0x38;
	[tilespmem:$0x18000] =	vst v63  }
0xee: {  	s30 =	rddreg [dreg:$0xe];
	s29 =	sadd.s32 $0x4C4C80, s28  }
0xef: {  	[tilespmem:s30], [sflag:$0x3] =	stream.linear.gather [hbm4b:s29+s5], $0x400, $0x38;
	[tilespmem:$0x18000] =	vst v63  }
0xf0: {  	s31 =	rddreg [dreg:$0xf];
	s29 =	sadd.s32 $0x5B8F00, s28  }
0xf1: {  	[tilespmem:s31], [sflag:$0x3] =	stream.linear.gather [hbm4b:s29+s5], $0x400, $0x38;
	[tilespmem:$0x18000] =	vst v63  }
0xf2: {  	s30 =	rddreg [dreg:$0x10];
	s28 =	sadd.s32 $0x6AD180, s28  }
0xf3: {  	[tilespmem:s30], [sflag:$0x3] =	stream.linear.gather [hbm4b:s28+s5], $0x400, $0x38;
	[tilespmem:$0x18000] =	vst v63  }
0xf4: {  	_ =	swait.ge [sflag:s10], $0x2000  }
0xf5: {  	s28 =	sadd.s32 @!p3 $0xFFFFFFFF, s20;
	[sflag:s10] =	ssyncset.done $0x0  }
0xf6: {  	s28 =	smov.u32 @p3 s4;
	[sflag:s10] =	ssyncadd.s32 $0xFFFFE000  }
0xf7: {  	s28 =	sshll.u32 s28, $0xA;
	[bflag:$0x0] =	sbarrier.arrive $0xFFFF  }
0xf8: {  	s29 =	simm.s32 @!p3 $0x8;
	s28 =	sadd.s32 s3, s28;
	[bflag:$0x0] =	sbarrier.arrive $0xFFFF  }
0xf9: {  	[hbm4b:s28+s5] =	stream.linear.scatter [tilespmem:s1], [sflag:$0x5], $0x2000, $0x38;
	[tilespmem:$0x18000] =	vst v63  }
0xfa: {  	_ =	swait.ge @!p3 [sflag:s29], $0x2000  }
0xfb: {  	s28 =	rddreg [dreg:$0x8]  }
0xfc: {  	s30 =	rddreg [dreg:$0x5];
	[sflag:s29] =	ssyncset.done @!p3 $0x0;
	s28 =	sadd.s32 @!p3 s19, s28  }
0xfd: {  	s31 =	rddreg [dreg:$0x11];
	[sflag:s29] =	ssyncadd.s32 @!p3 $0xFFFFE000;
	s28 =	smov.u32 @p3 s30  }
0xfe: {  	[tilespmem:s31], [sflag:$0x4] =	stream.linear.gather [hbm4b:s28+s5], $0x400, $0x38;
	[tilespmem:$0x18000] =	vst v63  }
0xff: {  	s29 =	rddreg [dreg:$0x12];
	s30 =	sadd.s32 $0xF4280, s28  }
0x100: {  	[tilespmem:s29], [sflag:$0x4] =	stream.linear.gather [hbm4b:s30+s5], $0x400, $0x38;
	[tilespmem:$0x18000] =	vst v63  }
0x101: {  	s31 =	rddreg [dreg:$0x13];
	s29 =	sadd.s32 $0x1E8500, s28  }
0x102: {  	[tilespmem:s31], [sflag:$0x4] =	stream.linear.gather [hbm4b:s29+s5], $0x400, $0x38;
	[tilespmem:$0x18000] =	vst v63  }
0x103: {  	s30 =	rddreg [dreg:$0x14];
	s29 =	sadd.s32 $0x2DC780, s28  }
0x104: {  	[tilespmem:s30], [sflag:$0x4] =	stream.linear.gather [hbm4b:s29+s5], $0x400, $0x38;
	[tilespmem:$0x18000] =	vst v63  }
0x105: {  	s31 =	rddreg [dreg:$0x15];
	s29 =	sadd.s32 $0x3D0A00, s28  }
0x106: {  	[tilespmem:s31], [sflag:$0x4] =	stream.linear.gather [hbm4b:s29+s5], $0x400, $0x38;
	[tilespmem:$0x18000] =	vst v63  }
0x107: {  	s30 =	rddreg [dreg:$0x16];
	s29 =	sadd.s32 $0x4C4C80, s28  }
0x108: {  	[tilespmem:s30], [sflag:$0x4] =	stream.linear.gather [hbm4b:s29+s5], $0x400, $0x38;
	[tilespmem:$0x18000] =	vst v63  }
0x109: {  	s31 =	rddreg [dreg:$0x17];
	s29 =	sadd.s32 $0x5B8F00, s28  }
0x10a: {  	[tilespmem:s31], [sflag:$0x4] =	stream.linear.gather [hbm4b:s29+s5], $0x400, $0x38;
	[tilespmem:$0x18000] =	vst v63  }
0x10b: {  	s30 =	rddreg [dreg:$0x18];
	s28 =	sadd.s32 $0x6AD180, s28  }
0x10c: {  	[tilespmem:s30], [sflag:$0x4] =	stream.linear.gather [hbm4b:s28+s5], $0x400, $0x38;
	[tilespmem:$0x18000] =	vst v63  }
0x10d: {  	s29 =	rddreg [dreg:$0x6];
	_ =	swait.ge [sflag:s0], $0x2000  }
0x10e: {  	s28 =	smov.u32 s20;
	[sflag:s0] =	ssyncset.done $0x0  }
0x10f: {  	s28 =	smov.u32 @p3 s29;
	[sflag:s0] =	ssyncadd.s32 $0xFFFFE000  }
0x110: {  	s28 =	sshll.u32 s28, $0xA;
	[bflag:$0x0] =	sbarrier.arrive $0xFFFF  }
0x111: {  	s28 =	sand.u32 $0x1FFFF400, s28;
	[bflag:$0x0] =	sbarrier.arrive $0xFFFF  }
0x112: {  	s28 =	sadd.s32 s3, s28;
	s30 =	rddreg [dreg:$0x19]  }
0x113: {  	[hbm4b:s28+s5] =	stream.linear.scatter [tilespmem:s30], [sflag:$0x6], $0x2000, $0x38;
	[tilespmem:$0x18000] =	vst v63  }
0x114: {  	_ =	swait.ge [sflag:s2], $0x2000  }
0x115: {  	s26 =	smov.u32 s21;
	p3 =	seq.s32 s19, $0x7800;
	s28 =	rddreg [dreg:$0x7]  }
0x116: {  	[sflag:s2] =	ssyncset.done $0x0;
	s28 =	sadd.s32 @!p3 s19, s28;
	s19 =	smov.u32 s26  }
0x117: {  	[sflag:s2] =	ssyncadd.s32 $0xFFFFE000;
	s26 =	simm.s32 @!p3 $0x0;
	s29 =	sadd.s32 @!p3 $0x200, s28  }
0x118: {  	[tilespmem:s26], [sflag:$0x1] =	stream.linear.gather @!p3 [hbm4b:s29+s26], $0x400, $0x38;
	[tilespmem:$0x18000] =	vst v63  }
0x119: {  	s30 =	simm.s32 @!p3 $0x800;
	s29 =	sadd.s32 @!p3 $0xF4480, s28  }
0x11a: {  	[tilespmem:s30], [sflag:$0x1] =	stream.linear.gather @!p3 [hbm4b:s29+s26], $0x400, $0x38;
	[tilespmem:$0x18000] =	vst v63  }
0x11b: {  	s29 =	sadd.s32 @!p3 $0x1E8700, s28;
	s30 =	simm.s32 @!p3 $0x1000  }
0x11c: {  	[tilespmem:s30], [sflag:$0x1] =	stream.linear.gather @!p3 [hbm4b:s29+s26], $0x400, $0x38;
	[tilespmem:$0x18000] =	vst v63  }
0x11d: {  	s29 =	sadd.s32 @!p3 $0x2DC980, s28;
	s30 =	simm.s32 @!p3 $0x1800  }
0x11e: {  	[tilespmem:s30], [sflag:$0x1] =	stream.linear.gather @!p3 [hbm4b:s29+s26], $0x400, $0x38;
	[tilespmem:$0x18000] =	vst v63  }
0x11f: {  	s29 =	sadd.s32 @!p3 $0x3D0C00, s28;
	s30 =	simm.s32 @!p3 $0x2000  }
0x120: {  	[tilespmem:s30], [sflag:$0x1] =	stream.linear.gather @!p3 [hbm4b:s29+s26], $0x400, $0x38;
	[tilespmem:$0x18000] =	vst v63  }
0x121: {  	s29 =	sadd.s32 @!p3 $0x4C4E80, s28;
	s30 =	simm.s32 @!p3 $0x2800  }
0x122: {  	[tilespmem:s30], [sflag:$0x1] =	stream.linear.gather @!p3 [hbm4b:s29+s26], $0x400, $0x38;
	[tilespmem:$0x18000] =	vst v63  }
0x123: {  	s29 =	sadd.s32 @!p3 $0x5B9100, s28;
	s30 =	simm.s32 @!p3 $0x3000  }
0x124: {  	[tilespmem:s30], [sflag:$0x1] =	stream.linear.gather @!p3 [hbm4b:s29+s26], $0x400, $0x38;
	[tilespmem:$0x18000] =	vst v63  }
0x125: {  	s29 =	sadd.s32 @!p3 $0x6AD380, s28;
	s30 =	simm.s32 @!p3 $0x3800  }
0x126: {  	[tilespmem:s30], [sflag:$0x1] =	stream.linear.gather @!p3 [hbm4b:s29+s26], $0x400, $0x38;
	[tilespmem:$0x18000] =	vst v63  }
0x127: {  	_ =	swait.ge [sflag:s11], $0x2000  }
0x128: {  	[sflag:s11] =	ssyncset.done $0x0  }
0x129: {  	[sflag:s11] =	ssyncadd.s32 $0xFFFFE000  }
0x12a: {  	[bflag:$0x0] =	sbarrier.arrive $0xFFFF  }
0x12b: {  	[bflag:$0x0] =	sbarrier.arrive $0xFFFF  }
0x12c: {  	s31 =	rddreg [dreg:$0x1a]  }
0x12d: {  	[hbm4b:s18+s5] =	stream.linear.scatter [tilespmem:s31], [sflag:$0x7], $0x2000, $0x38;
	[tilespmem:$0x18000] =	vst v63  }
0x12e: {  	_ =	swait.ge [sflag:s12], $0x2000  }
0x12f: {  	[sflag:s12] =	ssyncset.done $0x0  }
0x130: {  	s29 =	sadd.s32 @!p3 $0x280, s28;
	s30 =	simm.s32 @!p3 $0x4000;
	[sflag:s12] =	ssyncadd.s32 $0xFFFFE000  }
0x131: {  	[tilespmem:s30], [sflag:$0x2] =	stream.linear.gather @!p3 [hbm4b:s29+s26], $0x400, $0x38;
	[tilespmem:$0x18000] =	vst v63  }
0x132: {  	s29 =	sadd.s32 @!p3 $0xF4500, s28;
	s30 =	simm.s32 @!p3 $0x4800  }
0x133: {  	[tilespmem:s30], [sflag:$0x2] =	stream.linear.gather @!p3 [hbm4b:s29+s26], $0x400, $0x38;
	[tilespmem:$0x18000] =	vst v63  }
0x134: {  	s29 =	sadd.s32 @!p3 $0x1E8780, s28;
	s30 =	simm.s32 @!p3 $0x5000  }
0x135: {  	[tilespmem:s30], [sflag:$0x2] =	stream.linear.gather @!p3 [hbm4b:s29+s26], $0x400, $0x38;
	[tilespmem:$0x18000] =	vst v63  }
0x136: {  	s29 =	sadd.s32 @!p3 $0x2DCA00, s28;
	s30 =	simm.s32 @!p3 $0x5800  }
0x137: {  	[tilespmem:s30], [sflag:$0x2] =	stream.linear.gather @!p3 [hbm4b:s29+s26], $0x400, $0x38;
	[tilespmem:$0x18000] =	vst v63  }
0x138: {  	s29 =	sadd.s32 @!p3 $0x3D0C80, s28;
	s30 =	simm.s32 @!p3 $0x6000  }
0x139: {  	[tilespmem:s30], [sflag:$0x2] =	stream.linear.gather @!p3 [hbm4b:s29+s26], $0x400, $0x38;
	[tilespmem:$0x18000] =	vst v63  }
0x13a: {  	s29 =	sadd.s32 @!p3 $0x4C4F00, s28;
	s30 =	simm.s32 @!p3 $0x6800  }
0x13b: {  	[tilespmem:s30], [sflag:$0x2] =	stream.linear.gather @!p3 [hbm4b:s29+s26], $0x400, $0x38;
	[tilespmem:$0x18000] =	vst v63  }
0x13c: {  	s29 =	sadd.s32 @!p3 $0x5B9180, s28;
	s30 =	simm.s32 @!p3 $0x7000  }
0x13d: {  	[tilespmem:s30], [sflag:$0x2] =	stream.linear.gather @!p3 [hbm4b:s29+s26], $0x400, $0x38;
	[tilespmem:$0x18000] =	vst v63  }
0x13e: {  	s21 =	sadd.s32 $0x200, s21;
	s28 =	sadd.s32 @!p3 $0x6AD400, s28;
	s29 =	simm.s32 @!p3 $0x7800  }
0x13f: {  	[tilespmem:s29], [sflag:$0x2] =	stream.linear.gather @!p3 [hbm4b:s28+s26], $0x400, $0x38;
	[tilespmem:$0x18000] =	vst v63  }
0x140: {  	p2 =	sne.s32 s21, $0x7A00;
	_ =	swait.ge [sflag:s13], $0x2000  }
.Ltmp2:
0x141: {  	[sflag:s13] =	ssyncset.done $0x0;
	(pc) =	sbr.rel @p2 .LBB2_2-.Ltmp2, $4  }
0x142: {  	[sflag:s13] =	ssyncadd.s32 $0xFFFFE000  }
0x143: {  	s23 =	sadd.s32 $0x1000, s23;
	[bflag:$0x0] =	sbarrier.arrive $0xFFFF  }
0x144: {  	s17 =	smov.u32 s23;
	s20 =	sadd.s32 $0x4, s20;
	[bflag:$0x0] =	sbarrier.arrive $0xFFFF  }
0x145: {  	s18 =	sadd.s32 $0x1000, s18;
	p3 =	seq.s32 s19, $0x0;
	s28 =	rddreg [dreg:$0x1b]  }
0x146: {  	s21 =	simm.s32 @!p3 $0x7  }
0x147: {  	[hbm4b:s17+s5] =	stream.linear.scatter [tilespmem:s28], [sflag:$0x8], $0x2000, $0x38;
	[tilespmem:$0x18000] =	vst v63  }
0x148: {  	s26 =	sadd.s32 @!p3 s19, s7;
	_ =	swait.ge @!p3 [sflag:s21], $0x2000  }
0x149: {  	s26 =	smov.u32 @p3 s6;
	s31 =	rddreg [dreg:$0x4];
	[sflag:s21] =	ssyncset.done @!p3 $0x0  }
0x14a: {  	s29 =	rddreg [dreg:$0x9];
	[sflag:s21] =	ssyncadd.s32 @!p3 $0xFFFFE000;
	s17 =	sadd.s32 s26, s31  }
0x14b: {  	[tilespmem:s29], [sflag:$0x3] =	stream.linear.gather [hbm4b:s17+s5], $0x400, $0x38;
	[tilespmem:$0x18000] =	vst v63  }
0x14c: {  	s30 =	rddreg [dreg:$0xa];
	s26 =	sadd.s32 $0xF4280, s17  }
0x14d: {  	[tilespmem:s30], [sflag:$0x3] =	stream.linear.gather [hbm4b:s26+s5], $0x400, $0x38;
	[tilespmem:$0x18000] =	vst v63  }
0x14e: {  	s31 =	rddreg [dreg:$0xb];
	s26 =	sadd.s32 $0x1E8500, s17  }
0x14f: {  	[tilespmem:s31], [sflag:$0x3] =	stream.linear.gather [hbm4b:s26+s5], $0x400, $0x38;
	[tilespmem:$0x18000] =	vst v63  }
0x150: {  	s29 =	rddreg [dreg:$0xc];
	s30 =	sadd.s32 $0x2DC780, s17  }
0x151: {  	[tilespmem:s29], [sflag:$0x3] =	stream.linear.gather [hbm4b:s30+s5], $0x400, $0x38;
	[tilespmem:$0x18000] =	vst v63  }
0x152: {  	s31 =	rddreg [dreg:$0xd];
	s29 =	sadd.s32 $0x3D0A00, s17  }
0x153: {  	[tilespmem:s31], [sflag:$0x3] =	stream.linear.gather [hbm4b:s29+s5], $0x400, $0x38;
	[tilespmem:$0x18000] =	vst v63  }
0x154: {  	s30 =	rddreg [dreg:$0xe];
	s31 =	sadd.s32 $0x4C4C80, s17  }
0x155: {  	[tilespmem:s30], [sflag:$0x3] =	stream.linear.gather [hbm4b:s31+s5], $0x400, $0x38;
	[tilespmem:$0x18000] =	vst v63  }
0x156: {  	s29 =	rddreg [dreg:$0xf];
	s30 =	sadd.s32 $0x5B8F00, s17  }
0x157: {  	[tilespmem:s29], [sflag:$0x3] =	stream.linear.gather [hbm4b:s30+s5], $0x400, $0x38;
	[tilespmem:$0x18000] =	vst v63  }
0x158: {  	s31 =	rddreg [dreg:$0x10];
	s17 =	sadd.s32 $0x6AD180, s17  }
0x159: {  	[tilespmem:s31], [sflag:$0x3] =	stream.linear.gather [hbm4b:s17+s5], $0x400, $0x38;
	[tilespmem:$0x18000] =	vst v63  }
0x15a: {  	_ =	swait.ge [sflag:s10], $0x2000  }
0x15b: {  	s17 =	sadd.s32 @!p3 $0xFFFFFFFF, s20;
	[sflag:s10] =	ssyncset.done $0x0  }
0x15c: {  	s17 =	smov.u32 @p3 s4;
	[sflag:s10] =	ssyncadd.s32 $0xFFFFE000  }
0x15d: {  	s17 =	sshll.u32 s17, $0xA;
	[bflag:$0x0] =	sbarrier.arrive $0xFFFF  }
0x15e: {  	s21 =	simm.s32 @!p3 $0x8;
	s17 =	sadd.s32 s3, s17;
	[bflag:$0x0] =	sbarrier.arrive $0xFFFF  }
0x15f: {  	[hbm4b:s17+s5] =	stream.linear.scatter [tilespmem:s1], [sflag:$0x5], $0x2000, $0x38;
	[tilespmem:$0x18000] =	vst v63  }
0x160: {  	_ =	swait.ge @!p3 [sflag:s21], $0x2000  }
0x161: {  	s17 =	rddreg [dreg:$0x8]  }
0x162: {  	s26 =	rddreg [dreg:$0x5];
	[sflag:s21] =	ssyncset.done @!p3 $0x0;
	s17 =	sadd.s32 @!p3 s19, s17  }
0x163: {  	s29 =	rddreg [dreg:$0x11];
	[sflag:s21] =	ssyncadd.s32 @!p3 $0xFFFFE000;
	s17 =	smov.u32 @p3 s26  }
0x164: {  	[tilespmem:s29], [sflag:$0x4] =	stream.linear.gather [hbm4b:s17+s5], $0x400, $0x38;
	[tilespmem:$0x18000] =	vst v63  }
0x165: {  	s30 =	rddreg [dreg:$0x12];
	s26 =	sadd.s32 $0xF4280, s17  }
0x166: {  	[tilespmem:s30], [sflag:$0x4] =	stream.linear.gather [hbm4b:s26+s5], $0x400, $0x38;
	[tilespmem:$0x18000] =	vst v63  }
0x167: {  	s31 =	rddreg [dreg:$0x13];
	s26 =	sadd.s32 $0x1E8500, s17  }
0x168: {  	[tilespmem:s31], [sflag:$0x4] =	stream.linear.gather [hbm4b:s26+s5], $0x400, $0x38;
	[tilespmem:$0x18000] =	vst v63  }
0x169: {  	s29 =	rddreg [dreg:$0x14];
	s30 =	sadd.s32 $0x2DC780, s17  }
0x16a: {  	[tilespmem:s29], [sflag:$0x4] =	stream.linear.gather [hbm4b:s30+s5], $0x400, $0x38;
	[tilespmem:$0x18000] =	vst v63  }
0x16b: {  	s31 =	rddreg [dreg:$0x15];
	s29 =	sadd.s32 $0x3D0A00, s17  }
0x16c: {  	[tilespmem:s31], [sflag:$0x4] =	stream.linear.gather [hbm4b:s29+s5], $0x400, $0x38;
	[tilespmem:$0x18000] =	vst v63  }
0x16d: {  	s30 =	rddreg [dreg:$0x16];
	s31 =	sadd.s32 $0x4C4C80, s17  }
0x16e: {  	[tilespmem:s30], [sflag:$0x4] =	stream.linear.gather [hbm4b:s31+s5], $0x400, $0x38;
	[tilespmem:$0x18000] =	vst v63  }
0x16f: {  	s29 =	rddreg [dreg:$0x17];
	s30 =	sadd.s32 $0x5B8F00, s17  }
0x170: {  	[tilespmem:s29], [sflag:$0x4] =	stream.linear.gather [hbm4b:s30+s5], $0x400, $0x38;
	[tilespmem:$0x18000] =	vst v63  }
0x171: {  	s31 =	rddreg [dreg:$0x18];
	s17 =	sadd.s32 $0x6AD180, s17  }
0x172: {  	[tilespmem:s31], [sflag:$0x4] =	stream.linear.gather [hbm4b:s17+s5], $0x400, $0x38;
	[tilespmem:$0x18000] =	vst v63  }
0x173: {  	s21 =	rddreg [dreg:$0x6];
	_ =	swait.ge [sflag:s0], $0x2000  }
0x174: {  	[sflag:s0] =	ssyncset.done $0x0  }
0x175: {  	s20 =	smov.u32 @p3 s21;
	[sflag:s0] =	ssyncadd.s32 $0xFFFFE000  }
0x176: {  	s26 =	sshll.u32 s20, $0xA;
	[bflag:$0x0] =	sbarrier.arrive $0xFFFF  }
0x177: {  	s17 =	sand.u32 $0x1FFFF400, s26;
	[bflag:$0x0] =	sbarrier.arrive $0xFFFF  }
0x178: {  	s17 =	sadd.s32 s3, s17;
	s28 =	rddreg [dreg:$0x19]  }
0x179: {  	[hbm4b:s17+s5] =	stream.linear.scatter [tilespmem:s28], [sflag:$0x6], $0x2000, $0x38;
	[tilespmem:$0x18000] =	vst v63  }
0x17a: {  	_ =	swait.ge [sflag:s2], $0x2000  }
0x17b: {  	p2 =	seq.s32 s19, $0x7800;
	s17 =	rddreg [dreg:$0x7]  }
0x17c: {  	[sflag:s2] =	ssyncset.done $0x0;
	s17 =	sadd.s32 @!p2 s19, s17  }
0x17d: {  	s20 =	simm.s32 @!p2 $0x0;
	[sflag:s2] =	ssyncadd.s32 $0xFFFFE000;
	s19 =	sadd.s32 @!p2 $0x200, s17  }
0x17e: {  	[tilespmem:s20], [sflag:$0x1] =	stream.linear.gather @!p2 [hbm4b:s19+s20], $0x400, $0x38;
	[tilespmem:$0x18000] =	vst v63  }
0x17f: {  	s21 =	simm.s32 @!p2 $0x800;
	s19 =	sadd.s32 @!p2 $0xF4480, s17  }
0x180: {  	[tilespmem:s21], [sflag:$0x1] =	stream.linear.gather @!p2 [hbm4b:s19+s20], $0x400, $0x38;
	[tilespmem:$0x18000] =	vst v63  }
0x181: {  	s19 =	sadd.s32 @!p2 $0x1E8700, s17;
	s21 =	simm.s32 @!p2 $0x1000  }
0x182: {  	[tilespmem:s21], [sflag:$0x1] =	stream.linear.gather @!p2 [hbm4b:s19+s20], $0x400, $0x38;
	[tilespmem:$0x18000] =	vst v63  }
0x183: {  	s19 =	sadd.s32 @!p2 $0x2DC980, s17;
	s21 =	simm.s32 @!p2 $0x1800  }
0x184: {  	[tilespmem:s21], [sflag:$0x1] =	stream.linear.gather @!p2 [hbm4b:s19+s20], $0x400, $0x38;
	[tilespmem:$0x18000] =	vst v63  }
0x185: {  	s19 =	sadd.s32 @!p2 $0x3D0C00, s17;
	s21 =	simm.s32 @!p2 $0x2000  }
0x186: {  	[tilespmem:s21], [sflag:$0x1] =	stream.linear.gather @!p2 [hbm4b:s19+s20], $0x400, $0x38;
	[tilespmem:$0x18000] =	vst v63  }
0x187: {  	s19 =	sadd.s32 @!p2 $0x4C4E80, s17;
	s21 =	simm.s32 @!p2 $0x2800  }
0x188: {  	[tilespmem:s21], [sflag:$0x1] =	stream.linear.gather @!p2 [hbm4b:s19+s20], $0x400, $0x38;
	[tilespmem:$0x18000] =	vst v63  }
0x189: {  	s19 =	sadd.s32 @!p2 $0x5B9100, s17;
	s21 =	simm.s32 @!p2 $0x3000  }
0x18a: {  	[tilespmem:s21], [sflag:$0x1] =	stream.linear.gather @!p2 [hbm4b:s19+s20], $0x400, $0x38;
	[tilespmem:$0x18000] =	vst v63  }
0x18b: {  	s19 =	sadd.s32 @!p2 $0x6AD380, s17;
	s21 =	simm.s32 @!p2 $0x3800  }
0x18c: {  	[tilespmem:s21], [sflag:$0x1] =	stream.linear.gather @!p2 [hbm4b:s19+s20], $0x400, $0x38;
	[tilespmem:$0x18000] =	vst v63  }
0x18d: {  	_ =	swait.ge [sflag:s11], $0x2000  }
0x18e: {  	[sflag:s11] =	ssyncset.done $0x0  }
0x18f: {  	[sflag:s11] =	ssyncadd.s32 $0xFFFFE000  }
0x190: {  	[bflag:$0x0] =	sbarrier.arrive $0xFFFF  }
0x191: {  	[bflag:$0x0] =	sbarrier.arrive $0xFFFF  }
0x192: {  	s29 =	rddreg [dreg:$0x1a]  }
0x193: {  	[hbm4b:s18+s5] =	stream.linear.scatter [tilespmem:s29], [sflag:$0x7], $0x2000, $0x38;
	[tilespmem:$0x18000] =	vst v63  }
0x194: {  	_ =	swait.ge [sflag:s12], $0x2000  }
0x195: {  	[sflag:s12] =	ssyncset.done $0x0  }
0x196: {  	s19 =	simm.s32 @!p2 $0x4000;
	s18 =	sadd.s32 @!p2 $0x280, s17;
	[sflag:s12] =	ssyncadd.s32 $0xFFFFE000  }
0x197: {  	[tilespmem:s19], [sflag:$0x2] =	stream.linear.gather @!p2 [hbm4b:s18+s20], $0x400, $0x38;
	[tilespmem:$0x18000] =	vst v63  }
0x198: {  	s18 =	sadd.s32 @!p2 $0xF4500, s17;
	s19 =	simm.s32 @!p2 $0x4800  }
0x199: {  	[tilespmem:s19], [sflag:$0x2] =	stream.linear.gather @!p2 [hbm4b:s18+s20], $0x400, $0x38;
	[tilespmem:$0x18000] =	vst v63  }
0x19a: {  	s18 =	sadd.s32 @!p2 $0x1E8780, s17;
	s19 =	simm.s32 @!p2 $0x5000  }
0x19b: {  	[tilespmem:s19], [sflag:$0x2] =	stream.linear.gather @!p2 [hbm4b:s18+s20], $0x400, $0x38;
	[tilespmem:$0x18000] =	vst v63  }
0x19c: {  	s18 =	sadd.s32 @!p2 $0x2DCA00, s17;
	s19 =	simm.s32 @!p2 $0x5800  }
0x19d: {  	[tilespmem:s19], [sflag:$0x2] =	stream.linear.gather @!p2 [hbm4b:s18+s20], $0x400, $0x38;
	[tilespmem:$0x18000] =	vst v63  }
0x19e: {  	s18 =	sadd.s32 @!p2 $0x3D0C80, s17;
	s19 =	simm.s32 @!p2 $0x6000  }
0x19f: {  	[tilespmem:s19], [sflag:$0x2] =	stream.linear.gather @!p2 [hbm4b:s18+s20], $0x400, $0x38;
	[tilespmem:$0x18000] =	vst v63  }
0x1a0: {  	s18 =	sadd.s32 @!p2 $0x4C4F00, s17;
	s19 =	simm.s32 @!p2 $0x6800  }
0x1a1: {  	[tilespmem:s19], [sflag:$0x2] =	stream.linear.gather @!p2 [hbm4b:s18+s20], $0x400, $0x38;
	[tilespmem:$0x18000] =	vst v63  }
0x1a2: {  	s18 =	sadd.s32 @!p2 $0x5B9180, s17;
	s19 =	simm.s32 @!p2 $0x7000  }
0x1a3: {  	[tilespmem:s19], [sflag:$0x2] =	stream.linear.gather @!p2 [hbm4b:s18+s20], $0x400, $0x38;
	[tilespmem:$0x18000] =	vst v63  }
0x1a4: {  	s17 =	sadd.s32 @!p2 $0x6AD400, s17;
	s18 =	simm.s32 @!p2 $0x7800  }
0x1a5: {  	[tilespmem:s18], [sflag:$0x2] =	stream.linear.gather @!p2 [hbm4b:s17+s20], $0x400, $0x38;
	[tilespmem:$0x18000] =	vst v63  }
0x1a6: {  	_ =	swait.ge [sflag:s13], $0x2000  }
0x1a7: {  	[sflag:s13] =	ssyncset.done $0x0  }
0x1a8: {  	[sflag:s13] =	ssyncadd.s32 $0xFFFFE000  }
0x1a9: {  	[bflag:$0x0] =	sbarrier.arrive $0xFFFF  }
0x1aa: {  	[bflag:$0x0] =	sbarrier.arrive $0xFFFF  }
0x1ab: {  	s31 =	sadd.s32 $0x1000, s23;
	s30 =	rddreg [dreg:$0x1b]  }
0x1ac: {  	[hbm4b:s31+s5] =	stream.linear.scatter [tilespmem:s30], [sflag:$0x8], $0x2000, $0x38;
	[tilespmem:$0x18000] =	vst v63  }
0x1ad: {  	_ =	swait.ge [sflag:s14], $0x2000  }
.Ltmp3:
0x1ae: {  	[sflag:s14] =	ssyncset.done $0x0;
	(pc) =	sbr.rel @p1 .LBB2_7-.Ltmp3, $4  }
0x1af: {  	[sflag:s14] =	ssyncadd.s32 $0xFFFFE000  }
0x1b0: {  	_ =	swait.ge [sflag:s15], $0x2000  }
0x1b1: {  	[sflag:s15] =	ssyncset.done $0x0  }
0x1b2: {  	[sflag:s15] =	ssyncadd.s32 $0xFFFFE000  }
0x1b3: {  	s18 =	simm.s32 $0x0  }
0x1b4: {  	[tilespmem:s18], [sflag:$0x1] =	stream.linear.gather [hbm4b:s9+s18], $0x400, $0x38;
	[tilespmem:$0x18000] =	vst v63  }
0x1b5: {  	s17 =	sadd.s32 $0xF4280, s9;
	s19 =	simm.s32 $0x800  }
0x1b6: {  	[tilespmem:s19], [sflag:$0x1] =	stream.linear.gather [hbm4b:s17+s18], $0x400, $0x38;
	[tilespmem:$0x18000] =	vst v63  }
0x1b7: {  	s28 =	sadd.s32 $0x1E8500, s9;
	s29 =	simm.s32 $0x1000  }
0x1b8: {  	[tilespmem:s29], [sflag:$0x1] =	stream.linear.gather [hbm4b:s28+s18], $0x400, $0x38;
	[tilespmem:$0x18000] =	vst v63  }
0x1b9: {  	s30 =	sadd.s32 $0x2DC780, s9;
	s31 =	simm.s32 $0x1800  }
0x1ba: {  	[tilespmem:s31], [sflag:$0x1] =	stream.linear.gather [hbm4b:s30+s18], $0x400, $0x38;
	[tilespmem:$0x18000] =	vst v63  }
0x1bb: {  	s20 =	simm.s32 $0x2000;
	s19 =	sadd.s32 $0x3D0A00, s9  }
0x1bc: {  	[tilespmem:s20], [sflag:$0x1] =	stream.linear.gather [hbm4b:s19+s18], $0x400, $0x38;
	[tilespmem:$0x18000] =	vst v63  }
0x1bd: {  	s21 =	sadd.s32 $0x4C4C80, s9;
	s23 =	simm.s32 $0x2800  }
0x1be: {  	[tilespmem:s23], [sflag:$0x1] =	stream.linear.gather [hbm4b:s21+s18], $0x400, $0x38;
	[tilespmem:$0x18000] =	vst v63  }
0x1bf: {  	s26 =	sadd.s32 $0x5B8F00, s9;
	s28 =	simm.s32 $0x3000  }
0x1c0: {  	[tilespmem:s28], [sflag:$0x1] =	stream.linear.gather [hbm4b:s26+s18], $0x400, $0x38;
	[tilespmem:$0x18000] =	vst v63  }
0x1c1: {  	v4 =	vor.u32 s18, v0;
	s29 =	sadd.s32 $0x6AD180, s9;
	s30 =	simm.s32 $0x3800  }
0x1c2: {  	[tilespmem:s30], [sflag:$0x1] =	stream.linear.gather [hbm4b:s29+s18], $0x400, $0x38;
	[tilespmem:$0x18000] =	vst v63  }
0x1c3: {  	_ =	swait.ge [sflag:s10], $0x2000  }
0x1c4: {  	[sflag:s10] =	ssyncset.done $0x0  }
0x1c5: {  	[sflag:s10] =	ssyncadd.s32 $0xFFFFE000  }
0x1c6: {  	v4 =	vld.idx.msk [tilespmem:v4+s5+$0x0], $0xffff  }
0x1c7: {  	v5 =	vor.u32 s18, v1;
	_ =	sdelay $0x2  }
0x1c8: {  	s17 =	simm.s32 $0x10040  }
0x1c9: {  	[tilespmem:s17+$0xFFFFFFC0] =	vst v4  }
0x1ca: {  	v4 =	vld.idx.msk [tilespmem:v5+s5+$0x0], $0xffff  }
0x1cb: {  	v5 =	vor.u32 s18, v2;
	_ =	sdelay $0x3  }
0x1cc: {  	[tilespmem:s17+$0xFFFFFFD0] =	vst v4  }
0x1cd: {  	v4 =	vld.idx.msk [tilespmem:v5+s5+$0x0], $0xffff  }
0x1ce: {  	v5 =	vor.u32 s18, v3;
	_ =	sdelay $0x3  }
0x1cf: {  	[tilespmem:s17+$0xFFFFFFE0] =	vst v4  }
0x1d0: {  	s31 =	simm.s32 $0x1;
	v4 =	vld.idx.msk [tilespmem:v5+s5+$0x0], $0xffff  }
0x1d1: {  	v5 =	vor.u32 s31, v0;
	_ =	sdelay $0x3  }
0x1d2: {  	[tilespmem:s17+$0xFFFFFFF0] =	vst v4  }
0x1d3: {  	v4 =	vld.idx.msk [tilespmem:v5+s5+$0x0], $0xffff  }
0x1d4: {  	v5 =	vor.u32 s31, v1;
	_ =	sdelay $0x3  }
0x1d5: {  	[tilespmem:s17+$0x0] =	vst v4  }
0x1d6: {  	v4 =	vld.idx.msk [tilespmem:v5+s5+$0x0], $0xffff  }
0x1d7: {  	v5 =	vor.u32 s31, v2;
	_ =	sdelay $0x3  }
0x1d8: {  	[tilespmem:s17+$0x10] =	vst v4  }
0x1d9: {  	v4 =	vld.idx.msk [tilespmem:v5+s5+$0x0], $0xffff  }
0x1da: {  	v5 =	vor.u32 s31, v3;
	_ =	sdelay $0x3  }
0x1db: {  	[tilespmem:s17+$0x20] =	vst v4  }
0x1dc: {  	s18 =	simm.s32 $0x2;
	v4 =	vld.idx.msk [tilespmem:v5+s5+$0x0], $0xffff  }
0x1dd: {  	s19 =	simm.s32 $0x4;
	v5 =	vor.u32 s18, v0  }
.LBB2_5:
0x1de: {  	p2 =	sne.s32 s19, $0x7E;
	_ =	sdelay $0x2  }
0x1df: {  	[tilespmem:s17+$0x30] =	vst v4  }
0x1e0: {  	v4 =	vld.idx.msk [tilespmem:v5+s5+$0x0], $0xffff;
	_ =	sdelay $0x1  }
0x1e1: {  	v5 =	vor.u32 s18, v1;
	_ =	sdelay $0x2  }
0x1e2: {  	s17 =	sadd.s32 $0x80, s17  }
0x1e3: {  	[tilespmem:s17+$0xFFFFFFC0] =	vst v4  }
0x1e4: {  	v4 =	vld.idx.msk [tilespmem:v5+s5+$0x0], $0xffff;
	_ =	sdelay $0x1  }
0x1e5: {  	v5 =	vor.u32 s18, v2;
	_ =	sdelay $0x3  }
0x1e6: {  	[tilespmem:s17+$0xFFFFFFD0] =	vst v4  }
0x1e7: {  	v4 =	vld.idx.msk [tilespmem:v5+s5+$0x0], $0xffff;
	_ =	sdelay $0x1  }
0x1e8: {  	v5 =	vor.u32 s18, v3;
	_ =	sdelay $0x3  }
0x1e9: {  	[tilespmem:s17+$0xFFFFFFE0] =	vst v4  }
0x1ea: {  	v4 =	vld.idx.msk [tilespmem:v5+s5+$0x0], $0xffff  }
0x1eb: {  	s20 =	sadd.s32 $0x1, s18;
	s18 =	smov.u32 s19  }
0x1ec: {  	v5 =	vor.u32 s20, v0;
	_ =	sdelay $0x3  }
0x1ed: {  	[tilespmem:s17+$0xFFFFFFF0] =	vst v4  }
0x1ee: {  	v4 =	vld.idx.msk [tilespmem:v5+s5+$0x0], $0xffff;
	_ =	sdelay $0x1  }
0x1ef: {  	v5 =	vor.u32 s20, v1;
	_ =	sdelay $0x3  }
0x1f0: {  	[tilespmem:s17+$0x0] =	vst v4  }
0x1f1: {  	v4 =	vld.idx.msk [tilespmem:v5+s5+$0x0], $0xffff;
	_ =	sdelay $0x1  }
0x1f2: {  	v5 =	vor.u32 s20, v2;
	_ =	sdelay $0x3  }
0x1f3: {  	[tilespmem:s17+$0x10] =	vst v4  }
0x1f4: {  	v4 =	vld.idx.msk [tilespmem:v5+s5+$0x0], $0xffff;
	_ =	sdelay $0x1  }
0x1f5: {  	v5 =	vor.u32 s20, v3;
	_ =	sdelay $0x2  }
.Ltmp4:
0x1f6: {  	(pc) =	sbr.rel @p2 .LBB2_5-.Ltmp4, $3  }
0x1f7: {  	[tilespmem:s17+$0x20] =	vst v4  }
0x1f8: {  	v4 =	vld.idx.msk [tilespmem:v5+s5+$0x0], $0xffff;
	_ =	sdelay $0x1  }
0x1f9: {  	s19 =	sadd.s32 $0x2, s19;
	v5 =	vor.u32 s18, v0  }
.Ltmp5:
0x1fa: {  	_ = 	snop;
	(pc) =	sbr.rel .LBB2_6-.Ltmp5, $1  }
0x1fb: {  	_ =	sdelay $0x3  }
.LBB2_8:
0x1fc: {  	_ =	sfence.sel $0x180000  }
0x1fd: {  	[bflag:$0x0] =	sbarrier.arrive $0xFFFF  }
0x1fe: {  	_ =	strace $0x90000047  }
0x1ff: {  	s0 =	stileid.u32;
	[bflag:$0x2] =	sbarrier.arrive $0xFFFF  }
0x200: {  	p0 =	sne.s32 s0, $0x0;
	s0 =	rddreg [dreg:$0x3]  }
0x201: {  	s0 =	sadd.s32 @!p0 $0x100000, s0  }
0x202: {  	[sflag:s0] =	ssyncadd.tile.s32 @!p0 $0x1;
	_ =	shalt  }
.Lfunc_end2:
_tile_overlayer_lowered:
.L_overlay_start_2:
0x203: {  	(tag) =	ssettag $0x2  }
0x204: {  	s0 =	rddreg [dreg:$0x0];
	s2 =	stileid.u32  }
0x205: {  	s1 =	rddreg [dreg:$0x1];
	p0 =	sne.s32 s2, $0x0  }
0x206: {  	s3 =	rddreg [dreg:$0x2];
	[bflag:$0x3] =	sbarrier.arrive $0xFFFF;
	s2 =	simm.s32 @!p0 $0x1C09  }
0x207: {  	[timem:s3], [sflag:s2] =	dma.local @!p0 [hbm:s0], s1  }
0x208: {  	s0 =	simm.s32 @!p0 $0x9  }
0x209: {  	_ =	swait.ge @!p0 [sflag:s0], s1  }
0x20a: {  	s1 =	ssub.s32 @!p0 $0x0, s1;
	[sflag:s0] =	ssyncset.done @!p0 $0x0  }
0x20b: {  	[sflag:s0] =	ssyncadd.s32 @!p0 s1  }
0x20c: {  	[bflag:$0x3] =	sbarrier.arrive $0xFFFF  }
0x20d: {  	_ =	shalt  }

</sc_bundles>
